<compile_context>
chip_gen: v7x
topology: tpu7x:2x2x1
jax: 0.10.2.dev20260603
libtpu: 0.0.44.dev20260713+nightly
codegen_flags: <defaults>
</compile_context>

<pallas_src>
import functools

import jax
import jax.numpy as jnp
from jax import lax
from jax.experimental import pallas as pl
from jax.experimental.pallas import tpu as pltpu
from jax.experimental.pallas import tpu_sc as plsc

V = 52
D = 64
NB = 16384
S = 50
NC, NS = 2, 16
NW = NC * NS
B_PER_W = NB // NW
GB = 4
L = 16

_mesh = plsc.VectorSubcoreMesh(core_axis_name="c", subcore_axis_name="s")


@functools.partial(
    pl.kernel,
    out_type=jax.ShapeDtypeStruct((S, D, NB), jnp.float32),
    mesh=_mesh,
    compiler_params=pltpu.CompilerParams(needs_layout_passes=False),
    scratch_types=[
        pltpu.VMEM((S * B_PER_W,), jnp.int32),
        pltpu.VMEM((V * (D + 1),), jnp.float32),
        pltpu.VMEM((D, 128), jnp.float32),
        pltpu.VMEM((D, 128), jnp.float32),
        pltpu.SemaphoreType.DMA,
        pltpu.SemaphoreType.DMA,
        pltpu.SemaphoreType.DMA,
    ],
)
def _gather_kernel(idx_hbm, table_hbm, out_hbm, idx_v, tab_v,
                   stage0, stage1, isem, ssem0, ssem1):
    wid = lax.axis_index("s") * NC + lax.axis_index("c")
    stage = (stage0, stage1)
    ssem = (ssem0, ssem1)

    def idx_copy(s):
        src = pl.multiple_of(s * NB + wid * B_PER_W, B_PER_W)
        dst = pl.multiple_of(s * B_PER_W, B_PER_W)
        return pltpu.make_async_copy(idx_hbm.at[pl.ds(src, B_PER_W)],
                                     idx_v.at[pl.ds(dst, B_PER_W)], isem)

    def fire(s, carry):
        idx_copy(s).start()
        return carry

    def drain(s, carry):
        idx_copy(s).wait()
        return carry

    lax.fori_loop(0, S, fire, 0)
    pltpu.sync_copy(table_hbm, tab_v)
    lax.fori_loop(0, S, drain, 0)

    def store(s, gb, half):
        b0 = (wid * GB + gb) * 128
        return pltpu.make_async_copy(
            stage[half], out_hbm.at[s, :, pl.ds(pl.multiple_of(b0, 128), 128)],
            ssem[half])

    def gb_body(gb, carry):
        def body(t, carry):
            for half in range(2):
                s = 2 * t + half

                @pl.when(t >= 1)
                def _(s=s, half=half):
                    store(s - 2, gb, half).wait()

                rowbs = []
                for g in range(8):
                    off = pl.multiple_of(s * B_PER_W + gb * 128 + g * L, L)
                    idx16 = idx_v[pl.ds(off, L)]
                    rowbs.append(idx16 * (D + 1))
                rowbs = tuple(rowbs)

                @plsc.parallel_loop(0, D, unroll=4)
                def _(d, half=half, rowbs=rowbs):
                    for g in range(8):
                        val = plsc.load_gather(tab_v, [rowbs[g] + d])
                        stage[half][d, pl.ds(g * L, L)] = val

                store(s, gb, half).start()
            return carry

        lax.fori_loop(0, S // 2, body, 0)
        store(S - 2, gb, 0).wait()
        store(S - 1, gb, 1).wait()
        return carry

    lax.fori_loop(0, GB, gb_body, 0)


def kernel(action_indices, embedding_table):
    idx_sm = action_indices.T.reshape(-1).astype(jnp.int32)
    table_padded = jnp.pad(embedding_table, ((0, 0), (0, 1))).reshape(-1)
    out = _gather_kernel(idx_sm, table_padded)
    return jnp.transpose(out, (2, 0, 1))

# --- scband reference (transcript-rebuilt; emitter-appended) ---
"""Pipeline reference for scband-action-embedding-24309514895636 (READ-ONLY COPY).

The authoritative reference and input builder live on the scoring server;
editing this copy changes nothing except your own understanding.
"""

import jax, jax.numpy as jnp
import numpy as np


def setup_inputs(seed: int = 0) -> dict:
    key = jax.random.key(seed)
    k1, k2 = jax.random.split(key)
    action_indices = jax.random.randint(k1, (16384, 50), 0, 52, dtype=jnp.int64 if jax.config.jax_enable_x64 else jnp.int32)
    embedding_table = jax.random.normal(k2, (52, 64), dtype=jnp.float32)
    return {"action_indices": action_indices, "embedding_table": embedding_table}


def reference(action_indices, embedding_table):
    # nn.Embedding forward: gather rows of the table by index
    return jnp.take(embedding_table, action_indices, axis=0)

if __name__ == "__main__":
    import jax
    _d = setup_inputs()
    print(jax.jit(kernel)(*tuple(_d.values())))

</pallas_src>

<mosaic_0001>
#map = affine_map<(d0, d1) -> (0)>
#map1 = affine_map<(d0, d1) -> (0, 0, 0)>
module attributes {stable_mosaic.version = 14 : i64} {
  func.func @_gather_kernel(%arg0: i32, %arg1: i32, %arg2: memref<819200xi32, #tpu.memory_space<hbm>>, %arg3: memref<3380xf32, #tpu.memory_space<hbm>>, %arg4: memref<50x64x16384xf32, #tpu.memory_space<hbm>>, %arg5: memref<25600xi32, #tpu.memory_space<vmem>>, %arg6: memref<3380xf32, #tpu.memory_space<vmem>>, %arg7: memref<64x128xf32, #tpu.memory_space<vmem>>, %arg8: memref<64x128xf32, #tpu.memory_space<vmem>>, %arg9: memref<!tpu.dma_semaphore, #tpu.memory_space<semaphore_mem>>, %arg10: memref<!tpu.dma_semaphore, #tpu.memory_space<semaphore_mem>>, %arg11: memref<!tpu.dma_semaphore, #tpu.memory_space<semaphore_mem>>) attributes {dimension_semantics = [#tpu.dimension_semantics<core_parallel>, #tpu.dimension_semantics<subcore_parallel>], iteration_bounds = array<i64: 2, 16>, scalar_prefetch = 0 : i64, scratch_operands = 7 : i64, tpu.core_type = #tpu.core_type<sc_vector_subcore>, window_params = [{transform_indices = #map}, {transform_indices = #map}, {transform_indices = #map1}]} {
    %mul3A = arith.constant 2 : i32
    %mul3A_0 = arith.muli %arg1, %mul3A : i32
    %add3A = arith.addi %mul3A_0, %arg0 : i32
    %scan3A = arith.constant 0 : i32
    %scan3A_1 = arith.constant 0 : i32
    %scan3A_2 = arith.constant 50 : i32
    %scan3A_3 = arith.addi %scan3A_1, %scan3A_2 : i32
    %scan3A_4 = arith.constant 1 : i32
    scf.for %scan3A_18 = %scan3A_1 to %scan3A_3 step %scan3A_4  : i32 {
      %mul3A_19 = arith.constant 16384 : i32
      %mul3A_20 = arith.muli %scan3A_18, %mul3A_19 : i32
      %mul3A_21 = arith.constant 512 : i32
      %mul3A_22 = arith.muli %add3A, %mul3A_21 : i32
      %add3A_23 = arith.addi %mul3A_20, %mul3A_22 : i32
      %multiple_of3A = tpu.assume_multiple %add3A_23, 512 : i32
      %mul3A_24 = arith.constant 512 : i32
      %mul3A_25 = arith.muli %scan3A_18, %mul3A_24 : i32
      %multiple_of3A_26 = tpu.assume_multiple %mul3A_25, 512 : i32
      %dma_start3A = tpu.memref_slice %arg5[%multiple_of3A_26] : memref<25600xi32, #tpu.memory_space<vmem>> -> memref<512xi32, #tpu.memory_space<vmem>>
      %dma_start3A_27 = tpu.memref_slice %arg2[%multiple_of3A] : memref<819200xi32, #tpu.memory_space<hbm>> -> memref<512xi32, #tpu.memory_space<hbm>>
      %dma_start3A_28 = tpu.memref_slice %arg5[%multiple_of3A_26] : memref<25600xi32, #tpu.memory_space<vmem>> -> memref<512xi32, #tpu.memory_space<vmem>>
      %dma_start3A_29 = tpu.memref_slice %arg2[%multiple_of3A] : memref<819200xi32, #tpu.memory_space<hbm>> -> memref<512xi32, #tpu.memory_space<hbm>>
      tpu.enqueue_dma source(%dma_start3A_29 : memref<512xi32, #tpu.memory_space<hbm>>) target(%dma_start3A_28 : memref<512xi32, #tpu.memory_space<vmem>>) target_semaphore(%arg9 : memref<!tpu.dma_semaphore, #tpu.memory_space<semaphore_mem>>)
    }
    %scan3A_5 = arith.constant 50 : i32
    "tpu.region"() ({
      %run_scoped3A = tpu.sem_alloc : memref<!tpu.dma_semaphore, #tpu.memory_space<semaphore_mem>>
      tpu.enqueue_dma source(%arg3 : memref<3380xf32, #tpu.memory_space<hbm>>) target(%arg6 : memref<3380xf32, #tpu.memory_space<vmem>>) target_semaphore(%run_scoped3A : memref<!tpu.dma_semaphore, #tpu.memory_space<semaphore_mem>>)
      tpu.wait_dma2 semaphore(%run_scoped3A : memref<!tpu.dma_semaphore, #tpu.memory_space<semaphore_mem>>) src(%arg3 : memref<3380xf32, #tpu.memory_space<hbm>>) dst(%arg6 : memref<3380xf32, #tpu.memory_space<vmem>>)
      tpu.yield
    }) : () -> ()
    %scan3A_6 = arith.constant 0 : i32
    %scan3A_7 = arith.constant 0 : i32
    %scan3A_8 = arith.constant 50 : i32
    %scan3A_9 = arith.addi %scan3A_7, %scan3A_8 : i32
    %scan3A_10 = arith.constant 1 : i32
    scf.for %scan3A_18 = %scan3A_7 to %scan3A_9 step %scan3A_10  : i32 {
      %mul3A_19 = arith.constant 16384 : i32
      %mul3A_20 = arith.muli %scan3A_18, %mul3A_19 : i32
      %mul3A_21 = arith.constant 512 : i32
      %mul3A_22 = arith.muli %add3A, %mul3A_21 : i32
      %add3A_23 = arith.addi %mul3A_20, %mul3A_22 : i32
      %multiple_of3A = tpu.assume_multiple %add3A_23, 512 : i32
      %mul3A_24 = arith.constant 512 : i32
      %mul3A_25 = arith.muli %scan3A_18, %mul3A_24 : i32
      %multiple_of3A_26 = tpu.assume_multiple %mul3A_25, 512 : i32
      %dma_wait3A = tpu.memref_slice %arg5[%multiple_of3A_26] : memref<25600xi32, #tpu.memory_space<vmem>> -> memref<512xi32, #tpu.memory_space<vmem>>
      %dma_wait3A_27 = tpu.memref_slice %arg2[%multiple_of3A] : memref<819200xi32, #tpu.memory_space<hbm>> -> memref<512xi32, #tpu.memory_space<hbm>>
      %dma_wait3A_28 = tpu.memref_slice %arg5[%multiple_of3A_26] : memref<25600xi32, #tpu.memory_space<vmem>> -> memref<512xi32, #tpu.memory_space<vmem>>
      %dma_wait3A_29 = tpu.memref_slice %arg2[%multiple_of3A] : memref<819200xi32, #tpu.memory_space<hbm>> -> memref<512xi32, #tpu.memory_space<hbm>>
      tpu.wait_dma2 semaphore(%arg9 : memref<!tpu.dma_semaphore, #tpu.memory_space<semaphore_mem>>) src(%dma_wait3A_29 : memref<512xi32, #tpu.memory_space<hbm>>) dst(%dma_wait3A_28 : memref<512xi32, #tpu.memory_space<vmem>>)
    }
    %scan3A_11 = arith.constant 50 : i32
    %scan3A_12 = arith.constant 0 : i32
    %scan3A_13 = arith.constant 0 : i32
    %scan3A_14 = arith.constant 4 : i32
    %scan3A_15 = arith.addi %scan3A_13, %scan3A_14 : i32
    %scan3A_16 = arith.constant 1 : i32
    scf.for %scan3A_18 = %scan3A_13 to %scan3A_15 step %scan3A_16  : i32 {
      %scan3A_19 = arith.constant 0 : i32
      %scan3A_20 = arith.constant 0 : i32
      %scan3A_21 = arith.constant 25 : i32
      %scan3A_22 = arith.addi %scan3A_20, %scan3A_21 : i32
      %scan3A_23 = arith.constant 1 : i32
      scf.for %scan3A_49 = %scan3A_20 to %scan3A_22 step %scan3A_23  : i32 {
        %mul3A_50 = arith.constant 2 : i32
        %mul3A_51 = arith.muli %mul3A_50, %scan3A_49 : i32
        %add3A_52 = arith.constant 0 : i32
        %add3A_53 = arith.addi %mul3A_51, %add3A_52 : i32
        %ge3A = arith.constant 1 : i32
        %ge3A_54 = arith.cmpi sge, %scan3A_49, %ge3A : i32
        %convert_element_type3A = arith.extui %ge3A_54 : i1 to i32
        %cond3A = arith.constant 0 : i32
        %cond3A_55 = arith.cmpi ne, %convert_element_type3A, %cond3A : i32
        scf.if %cond3A_55 {
          %sub3A = arith.constant 2 : i32
          %sub3A_300 = arith.subi %add3A_53, %sub3A : i32
          %mul3A_301 = arith.constant 4 : i32
          %mul3A_302 = arith.muli %add3A, %mul3A_301 : i32
          %add3A_303 = arith.addi %mul3A_302, %scan3A_18 : i32
          %mul3A_304 = arith.constant 128 : i32
          %mul3A_305 = arith.muli %add3A_303, %mul3A_304 : i32
          %multiple_of3A_306 = tpu.assume_multiple %mul3A_305, 128 : i32
          %dma_wait3A_307 = arith.constant 0 : i32
          %dma_wait3A_308 = tpu.memref_slice %arg4[%sub3A_300, %dma_wait3A_307, %multiple_of3A_306] : memref<50x64x16384xf32, #tpu.memory_space<hbm>> -> memref<1x64x128xf32, #tpu.memory_space<hbm>>
          %dma_wait3A_309 = tpu.memref_squeeze %dma_wait3A_308 : memref<1x64x128xf32, #tpu.memory_space<hbm>> -> memref<64x128xf32, #tpu.memory_space<hbm>>
          %dma_wait3A_310 = arith.constant 0 : i32
          %dma_wait3A_311 = tpu.memref_slice %arg4[%sub3A_300, %dma_wait3A_310, %multiple_of3A_306] : memref<50x64x16384xf32, #tpu.memory_space<hbm>> -> memref<1x64x128xf32, #tpu.memory_space<hbm>>
          %dma_wait3A_312 = tpu.memref_squeeze %dma_wait3A_311 : memref<1x64x128xf32, #tpu.memory_space<hbm>> -> memref<64x128xf32, #tpu.memory_space<hbm>>
          tpu.wait_dma2 semaphore(%arg10 : memref<!tpu.dma_semaphore, #tpu.memory_space<semaphore_mem>>) src(%arg7 : memref<64x128xf32, #tpu.memory_space<vmem>>) dst(%dma_wait3A_312 : memref<64x128xf32, #tpu.memory_space<hbm>>)
        } else {
        }
        %mul3A_56 = arith.constant 512 : i32
        %mul3A_57 = arith.muli %add3A_53, %mul3A_56 : i32
        %mul3A_58 = arith.constant 128 : i32
        %mul3A_59 = arith.muli %scan3A_18, %mul3A_58 : i32
        %add3A_60 = arith.addi %mul3A_57, %mul3A_59 : i32
        %add3A_61 = arith.constant 0 : i32
        %add3A_62 = arith.addi %add3A_60, %add3A_61 : i32
        %multiple_of3A_63 = tpu.assume_multiple %add3A_62, 16 : i32
        %get3A = arith.index_cast %multiple_of3A_63 : i32 to index
        %get3A_64 = tpu.vector_load %arg5[%get3A] {strides = array<i32>} : memref<25600xi32, #tpu.memory_space<vmem>>, vector<16xi32>,
        %mul3A_65 = arith.constant 65 : i32
        %mul3A_66 = vector.broadcast %mul3A_65 : i32 to vector<16xi32>
        %mul3A_67 = arith.muli %get3A_64, %mul3A_66 : vector<16xi32>
        %mul3A_68 = arith.constant 512 : i32
        %mul3A_69 = arith.muli %add3A_53, %mul3A_68 : i32
        %mul3A_70 = arith.constant 128 : i32
        %mul3A_71 = arith.muli %scan3A_18, %mul3A_70 : i32
        %add3A_72 = arith.addi %mul3A_69, %mul3A_71 : i32
        %add3A_73 = arith.constant 16 : i32
        %add3A_74 = arith.addi %add3A_72, %add3A_73 : i32
        %multiple_of3A_75 = tpu.assume_multiple %add3A_74, 16 : i32
        %get3A_76 = arith.index_cast %multiple_of3A_75 : i32 to index
        %get3A_77 = tpu.vector_load %arg5[%get3A_76] {strides = array<i32>} : memref<25600xi32, #tpu.memory_space<vmem>>, vector<16xi32>,
        %mul3A_78 = arith.constant 65 : i32
        %mul3A_79 = vector.broadcast %mul3A_78 : i32 to vector<16xi32>
        %mul3A_80 = arith.muli %get3A_77, %mul3A_79 : vector<16xi32>
        %mul3A_81 = arith.constant 512 : i32
        %mul3A_82 = arith.muli %add3A_53, %mul3A_81 : i32
        %mul3A_83 = arith.constant 128 : i32
        %mul3A_84 = arith.muli %scan3A_18, %mul3A_83 : i32
        %add3A_85 = arith.addi %mul3A_82, %mul3A_84 : i32
        %add3A_86 = arith.constant 32 : i32
        %add3A_87 = arith.addi %add3A_85, %add3A_86 : i32
        %multiple_of3A_88 = tpu.assume_multiple %add3A_87, 16 : i32
        %get3A_89 = arith.index_cast %multiple_of3A_88 : i32 to index
        %get3A_90 = tpu.vector_load %arg5[%get3A_89] {strides = array<i32>} : memref<25600xi32, #tpu.memory_space<vmem>>, vector<16xi32>,
        %mul3A_91 = arith.constant 65 : i32
        %mul3A_92 = vector.broadcast %mul3A_91 : i32 to vector<16xi32>
        %mul3A_93 = arith.muli %get3A_90, %mul3A_92 : vector<16xi32>
        %mul3A_94 = arith.constant 512 : i32
        %mul3A_95 = arith.muli %add3A_53, %mul3A_94 : i32
        %mul3A_96 = arith.constant 128 : i32
        %mul3A_97 = arith.muli %scan3A_18, %mul3A_96 : i32
        %add3A_98 = arith.addi %mul3A_95, %mul3A_97 : i32
        %add3A_99 = arith.constant 48 : i32
        %add3A_100 = arith.addi %add3A_98, %add3A_99 : i32
        %multiple_of3A_101 = tpu.assume_multiple %add3A_100, 16 : i32
        %get3A_102 = arith.index_cast %multiple_of3A_101 : i32 to index
        %get3A_103 = tpu.vector_load %arg5[%get3A_102] {strides = array<i32>} : memref<25600xi32, #tpu.memory_space<vmem>>, vector<16xi32>,
        %mul3A_104 = arith.constant 65 : i32
        %mul3A_105 = vector.broadcast %mul3A_104 : i32 to vector<16xi32>
        %mul3A_106 = arith.muli %get3A_103, %mul3A_105 : vector<16xi32>
        %mul3A_107 = arith.constant 512 : i32
        %mul3A_108 = arith.muli %add3A_53, %mul3A_107 : i32
        %mul3A_109 = arith.constant 128 : i32
        %mul3A_110 = arith.muli %scan3A_18, %mul3A_109 : i32
        %add3A_111 = arith.addi %mul3A_108, %mul3A_110 : i32
        %add3A_112 = arith.constant 64 : i32
        %add3A_113 = arith.addi %add3A_111, %add3A_112 : i32
        %multiple_of3A_114 = tpu.assume_multiple %add3A_113, 16 : i32
        %get3A_115 = arith.index_cast %multiple_of3A_114 : i32 to index
        %get3A_116 = tpu.vector_load %arg5[%get3A_115] {strides = array<i32>} : memref<25600xi32, #tpu.memory_space<vmem>>, vector<16xi32>,
        %mul3A_117 = arith.constant 65 : i32
        %mul3A_118 = vector.broadcast %mul3A_117 : i32 to vector<16xi32>
        %mul3A_119 = arith.muli %get3A_116, %mul3A_118 : vector<16xi32>
        %mul3A_120 = arith.constant 512 : i32
        %mul3A_121 = arith.muli %add3A_53, %mul3A_120 : i32
        %mul3A_122 = arith.constant 128 : i32
        %mul3A_123 = arith.muli %scan3A_18, %mul3A_122 : i32
        %add3A_124 = arith.addi %mul3A_121, %mul3A_123 : i32
        %add3A_125 = arith.constant 80 : i32
        %add3A_126 = arith.addi %add3A_124, %add3A_125 : i32
        %multiple_of3A_127 = tpu.assume_multiple %add3A_126, 16 : i32
        %get3A_128 = arith.index_cast %multiple_of3A_127 : i32 to index
        %get3A_129 = tpu.vector_load %arg5[%get3A_128] {strides = array<i32>} : memref<25600xi32, #tpu.memory_space<vmem>>, vector<16xi32>,
        %mul3A_130 = arith.constant 65 : i32
        %mul3A_131 = vector.broadcast %mul3A_130 : i32 to vector<16xi32>
        %mul3A_132 = arith.muli %get3A_129, %mul3A_131 : vector<16xi32>
        %mul3A_133 = arith.constant 512 : i32
        %mul3A_134 = arith.muli %add3A_53, %mul3A_133 : i32
        %mul3A_135 = arith.constant 128 : i32
        %mul3A_136 = arith.muli %scan3A_18, %mul3A_135 : i32
        %add3A_137 = arith.addi %mul3A_134, %mul3A_136 : i32
        %add3A_138 = arith.constant 96 : i32
        %add3A_139 = arith.addi %add3A_137, %add3A_138 : i32
        %multiple_of3A_140 = tpu.assume_multiple %add3A_139, 16 : i32
        %get3A_141 = arith.index_cast %multiple_of3A_140 : i32 to index
        %get3A_142 = tpu.vector_load %arg5[%get3A_141] {strides = array<i32>} : memref<25600xi32, #tpu.memory_space<vmem>>, vector<16xi32>,
        %mul3A_143 = arith.constant 65 : i32
        %mul3A_144 = vector.broadcast %mul3A_143 : i32 to vector<16xi32>
        %mul3A_145 = arith.muli %get3A_142, %mul3A_144 : vector<16xi32>
        %mul3A_146 = arith.constant 512 : i32
        %mul3A_147 = arith.muli %add3A_53, %mul3A_146 : i32
        %mul3A_148 = arith.constant 128 : i32
        %mul3A_149 = arith.muli %scan3A_18, %mul3A_148 : i32
        %add3A_150 = arith.addi %mul3A_147, %mul3A_149 : i32
        %add3A_151 = arith.constant 112 : i32
        %add3A_152 = arith.addi %add3A_150, %add3A_151 : i32
        %multiple_of3A_153 = tpu.assume_multiple %add3A_152, 16 : i32
        %get3A_154 = arith.index_cast %multiple_of3A_153 : i32 to index
        %get3A_155 = tpu.vector_load %arg5[%get3A_154] {strides = array<i32>} : memref<25600xi32, #tpu.memory_space<vmem>>, vector<16xi32>,
        %mul3A_156 = arith.constant 65 : i32
        %mul3A_157 = vector.broadcast %mul3A_156 : i32 to vector<16xi32>
        %mul3A_158 = arith.muli %get3A_155, %mul3A_157 : vector<16xi32>
        %parallel_loop3A = arith.constant 0 : i32
        %parallel_loop3A_159 = arith.constant 64 : i32
        %parallel_loop3A_160 = arith.constant 1 : i32
        scf.for %parallel_loop3A_300 = %parallel_loop3A to %parallel_loop3A_159 step %parallel_loop3A_160  : i32 {
          %parallel_loop3A_301 = vector.broadcast %parallel_loop3A_300 : i32 to vector<16xi32>
          %parallel_loop3A_302 = arith.addi %mul3A_67, %parallel_loop3A_301 : vector<16xi32>
          %parallel_loop3A_303 = tpu.vector_load_idx %arg6[%parallel_loop3A_302] : memref<3380xf32, #tpu.memory_space<vmem>>[vector<16xi32>], vector<16xf32>,
          %parallel_loop3A_304 = arith.index_cast %parallel_loop3A_300 : i32 to index
          %parallel_loop3A_305 = arith.constant 0 : index
          %parallel_loop3A_306 = tpu.vector_load %arg7[%parallel_loop3A_304, %parallel_loop3A_305] {strides = array<i32>} : memref<64x128xf32, #tpu.memory_space<vmem>>, vector<16xf32>,
          tpu.vector_store %arg7[%parallel_loop3A_304, %parallel_loop3A_305], %parallel_loop3A_303 {strides = array<i32>} : memref<64x128xf32, #tpu.memory_space<vmem>>, vector<16xf32>,
          %parallel_loop3A_307 = vector.broadcast %parallel_loop3A_300 : i32 to vector<16xi32>
          %parallel_loop3A_308 = arith.addi %mul3A_80, %parallel_loop3A_307 : vector<16xi32>
          %parallel_loop3A_309 = tpu.vector_load_idx %arg6[%parallel_loop3A_308] : memref<3380xf32, #tpu.memory_space<vmem>>[vector<16xi32>], vector<16xf32>,
          %parallel_loop3A_310 = arith.index_cast %parallel_loop3A_300 : i32 to index
          %parallel_loop3A_311 = arith.constant 16 : index
          %parallel_loop3A_312 = tpu.vector_load %arg7[%parallel_loop3A_310, %parallel_loop3A_311] {strides = array<i32>} : memref<64x128xf32, #tpu.memory_space<vmem>>, vector<16xf32>,
          tpu.vector_store %arg7[%parallel_loop3A_310, %parallel_loop3A_311], %parallel_loop3A_309 {strides = array<i32>} : memref<64x128xf32, #tpu.memory_space<vmem>>, vector<16xf32>,
          %parallel_loop3A_313 = vector.broadcast %parallel_loop3A_300 : i32 to vector<16xi32>
          %parallel_loop3A_314 = arith.addi %mul3A_93, %parallel_loop3A_313 : vector<16xi32>
          %parallel_loop3A_315 = tpu.vector_load_idx %arg6[%parallel_loop3A_314] : memref<3380xf32, #tpu.memory_space<vmem>>[vector<16xi32>], vector<16xf32>,
          %parallel_loop3A_316 = arith.index_cast %parallel_loop3A_300 : i32 to index
          %parallel_loop3A_317 = arith.constant 32 : index
          %parallel_loop3A_318 = tpu.vector_load %arg7[%parallel_loop3A_316, %parallel_loop3A_317] {strides = array<i32>} : memref<64x128xf32, #tpu.memory_space<vmem>>, vector<16xf32>,
          tpu.vector_store %arg7[%parallel_loop3A_316, %parallel_loop3A_317], %parallel_loop3A_315 {strides = array<i32>} : memref<64x128xf32, #tpu.memory_space<vmem>>, vector<16xf32>,
          %parallel_loop3A_319 = vector.broadcast %parallel_loop3A_300 : i32 to vector<16xi32>
          %parallel_loop3A_320 = arith.addi %mul3A_106, %parallel_loop3A_319 : vector<16xi32>
          %parallel_loop3A_321 = tpu.vector_load_idx %arg6[%parallel_loop3A_320] : memref<3380xf32, #tpu.memory_space<vmem>>[vector<16xi32>], vector<16xf32>,
          %parallel_loop3A_322 = arith.index_cast %parallel_loop3A_300 : i32 to index
          %parallel_loop3A_323 = arith.constant 48 : index
          %parallel_loop3A_324 = tpu.vector_load %arg7[%parallel_loop3A_322, %parallel_loop3A_323] {strides = array<i32>} : memref<64x128xf32, #tpu.memory_space<vmem>>, vector<16xf32>,
          tpu.vector_store %arg7[%parallel_loop3A_322, %parallel_loop3A_323], %parallel_loop3A_321 {strides = array<i32>} : memref<64x128xf32, #tpu.memory_space<vmem>>, vector<16xf32>,
          %parallel_loop3A_325 = vector.broadcast %parallel_loop3A_300 : i32 to vector<16xi32>
          %parallel_loop3A_326 = arith.addi %mul3A_119, %parallel_loop3A_325 : vector<16xi32>
          %parallel_loop3A_327 = tpu.vector_load_idx %arg6[%parallel_loop3A_326] : memref<3380xf32, #tpu.memory_space<vmem>>[vector<16xi32>], vector<16xf32>,
          %parallel_loop3A_328 = arith.index_cast %parallel_loop3A_300 : i32 to index
          %parallel_loop3A_329 = arith.constant 64 : index
          %parallel_loop3A_330 = tpu.vector_load %arg7[%parallel_loop3A_328, %parallel_loop3A_329] {strides = array<i32>} : memref<64x128xf32, #tpu.memory_space<vmem>>, vector<16xf32>,
          tpu.vector_store %arg7[%parallel_loop3A_328, %parallel_loop3A_329], %parallel_loop3A_327 {strides = array<i32>} : memref<64x128xf32, #tpu.memory_space<vmem>>, vector<16xf32>,
          %parallel_loop3A_331 = vector.broadcast %parallel_loop3A_300 : i32 to vector<16xi32>
          %parallel_loop3A_332 = arith.addi %mul3A_132, %parallel_loop3A_331 : vector<16xi32>
          %parallel_loop3A_333 = tpu.vector_load_idx %arg6[%parallel_loop3A_332] : memref<3380xf32, #tpu.memory_space<vmem>>[vector<16xi32>], vector<16xf32>,
          %parallel_loop3A_334 = arith.index_cast %parallel_loop3A_300 : i32 to index
          %parallel_loop3A_335 = arith.constant 80 : index
          %parallel_loop3A_336 = tpu.vector_load %arg7[%parallel_loop3A_334, %parallel_loop3A_335] {strides = array<i32>} : memref<64x128xf32, #tpu.memory_space<vmem>>, vector<16xf32>,
          tpu.vector_store %arg7[%parallel_loop3A_334, %parallel_loop3A_335], %parallel_loop3A_333 {strides = array<i32>} : memref<64x128xf32, #tpu.memory_space<vmem>>, vector<16xf32>,
          %parallel_loop3A_337 = vector.broadcast %parallel_loop3A_300 : i32 to vector<16xi32>
          %parallel_loop3A_338 = arith.addi %mul3A_145, %parallel_loop3A_337 : vector<16xi32>
          %parallel_loop3A_339 = tpu.vector_load_idx %arg6[%parallel_loop3A_338] : memref<3380xf32, #tpu.memory_space<vmem>>[vector<16xi32>], vector<16xf32>,
          %parallel_loop3A_340 = arith.index_cast %parallel_loop3A_300 : i32 to index
          %parallel_loop3A_341 = arith.constant 96 : index
          %parallel_loop3A_342 = tpu.vector_load %arg7[%parallel_loop3A_340, %parallel_loop3A_341] {strides = array<i32>} : memref<64x128xf32, #tpu.memory_space<vmem>>, vector<16xf32>,
          tpu.vector_store %arg7[%parallel_loop3A_340, %parallel_loop3A_341], %parallel_loop3A_339 {strides = array<i32>} : memref<64x128xf32, #tpu.memory_space<vmem>>, vector<16xf32>,
          %parallel_loop3A_343 = vector.broadcast %parallel_loop3A_300 : i32 to vector<16xi32>
          %parallel_loop3A_344 = arith.addi %mul3A_158, %parallel_loop3A_343 : vector<16xi32>
          %parallel_loop3A_345 = tpu.vector_load_idx %arg6[%parallel_loop3A_344] : memref<3380xf32, #tpu.memory_space<vmem>>[vector<16xi32>], vector<16xf32>,
          %parallel_loop3A_346 = arith.index_cast %parallel_loop3A_300 : i32 to index
          %parallel_loop3A_347 = arith.constant 112 : index
          %parallel_loop3A_348 = tpu.vector_load %arg7[%parallel_loop3A_346, %parallel_loop3A_347] {strides = array<i32>} : memref<64x128xf32, #tpu.memory_space<vmem>>, vector<16xf32>,
          tpu.vector_store %arg7[%parallel_loop3A_346, %parallel_loop3A_347], %parallel_loop3A_345 {strides = array<i32>} : memref<64x128xf32, #tpu.memory_space<vmem>>, vector<16xf32>,
        } {sc.loop_unroll_factor = 4 : i64, sc.parallel_access}
        %mul3A_161 = arith.constant 4 : i32
        %mul3A_162 = arith.muli %add3A, %mul3A_161 : i32
        %add3A_163 = arith.addi %mul3A_162, %scan3A_18 : i32
        %mul3A_164 = arith.constant 128 : i32
        %mul3A_165 = arith.muli %add3A_163, %mul3A_164 : i32
        %multiple_of3A_166 = tpu.assume_multiple %mul3A_165, 128 : i32
        %dma_start3A = arith.constant 0 : i32
        %dma_start3A_167 = tpu.memref_slice %arg4[%add3A_53, %dma_start3A, %multiple_of3A_166] : memref<50x64x16384xf32, #tpu.memory_space<hbm>> -> memref<1x64x128xf32, #tpu.memory_space<hbm>>
        %dma_start3A_168 = tpu.memref_squeeze %dma_start3A_167 : memref<1x64x128xf32, #tpu.memory_space<hbm>> -> memref<64x128xf32, #tpu.memory_space<hbm>>
        %dma_start3A_169 = arith.constant 0 : i32
        %dma_start3A_170 = tpu.memref_slice %arg4[%add3A_53, %dma_start3A_169, %multiple_of3A_166] : memref<50x64x16384xf32, #tpu.memory_space<hbm>> -> memref<1x64x128xf32, #tpu.memory_space<hbm>>
        %dma_start3A_171 = tpu.memref_squeeze %dma_start3A_170 : memref<1x64x128xf32, #tpu.memory_space<hbm>> -> memref<64x128xf32, #tpu.memory_space<hbm>>
        tpu.enqueue_dma source(%arg7 : memref<64x128xf32, #tpu.memory_space<vmem>>) target(%dma_start3A_171 : memref<64x128xf32, #tpu.memory_space<hbm>>) target_semaphore(%arg10 : memref<!tpu.dma_semaphore, #tpu.memory_space<semaphore_mem>>)
        %mul3A_172 = arith.constant 2 : i32
        %mul3A_173 = arith.muli %mul3A_172, %scan3A_49 : i32
        %add3A_174 = arith.constant 1 : i32
        %add3A_175 = arith.addi %mul3A_173, %add3A_174 : i32
        %ge3A_176 = arith.constant 1 : i32
        %ge3A_177 = arith.cmpi sge, %scan3A_49, %ge3A_176 : i32
        %convert_element_type3A_178 = arith.extui %ge3A_177 : i1 to i32
        %cond3A_179 = arith.constant 0 : i32
        %cond3A_180 = arith.cmpi ne, %convert_element_type3A_178, %cond3A_179 : i32
        scf.if %cond3A_180 {
          %sub3A = arith.constant 2 : i32
          %sub3A_300 = arith.subi %add3A_175, %sub3A : i32
          %mul3A_301 = arith.constant 4 : i32
          %mul3A_302 = arith.muli %add3A, %mul3A_301 : i32
          %add3A_303 = arith.addi %mul3A_302, %scan3A_18 : i32
          %mul3A_304 = arith.constant 128 : i32
          %mul3A_305 = arith.muli %add3A_303, %mul3A_304 : i32
          %multiple_of3A_306 = tpu.assume_multiple %mul3A_305, 128 : i32
          %dma_wait3A_307 = arith.constant 0 : i32
          %dma_wait3A_308 = tpu.memref_slice %arg4[%sub3A_300, %dma_wait3A_307, %multiple_of3A_306] : memref<50x64x16384xf32, #tpu.memory_space<hbm>> -> memref<1x64x128xf32, #tpu.memory_space<hbm>>
          %dma_wait3A_309 = tpu.memref_squeeze %dma_wait3A_308 : memref<1x64x128xf32, #tpu.memory_space<hbm>> -> memref<64x128xf32, #tpu.memory_space<hbm>>
          %dma_wait3A_310 = arith.constant 0 : i32
          %dma_wait3A_311 = tpu.memref_slice %arg4[%sub3A_300, %dma_wait3A_310, %multiple_of3A_306] : memref<50x64x16384xf32, #tpu.memory_space<hbm>> -> memref<1x64x128xf32, #tpu.memory_space<hbm>>
          %dma_wait3A_312 = tpu.memref_squeeze %dma_wait3A_311 : memref<1x64x128xf32, #tpu.memory_space<hbm>> -> memref<64x128xf32, #tpu.memory_space<hbm>>
          tpu.wait_dma2 semaphore(%arg11 : memref<!tpu.dma_semaphore, #tpu.memory_space<semaphore_mem>>) src(%arg8 : memref<64x128xf32, #tpu.memory_space<vmem>>) dst(%dma_wait3A_312 : memref<64x128xf32, #tpu.memory_space<hbm>>)
        } else {
        }
        %mul3A_181 = arith.constant 512 : i32
        %mul3A_182 = arith.muli %add3A_175, %mul3A_181 : i32
        %mul3A_183 = arith.constant 128 : i32
        %mul3A_184 = arith.muli %scan3A_18, %mul3A_183 : i32
        %add3A_185 = arith.addi %mul3A_182, %mul3A_184 : i32
        %add3A_186 = arith.constant 0 : i32
        %add3A_187 = arith.addi %add3A_185, %add3A_186 : i32
        %multiple_of3A_188 = tpu.assume_multiple %add3A_187, 16 : i32
        %get3A_189 = arith.index_cast %multiple_of3A_188 : i32 to index
        %get3A_190 = tpu.vector_load %arg5[%get3A_189] {strides = array<i32>} : memref<25600xi32, #tpu.memory_space<vmem>>, vector<16xi32>,
        %mul3A_191 = arith.constant 65 : i32
        %mul3A_192 = vector.broadcast %mul3A_191 : i32 to vector<16xi32>
        %mul3A_193 = arith.muli %get3A_190, %mul3A_192 : vector<16xi32>
        %mul3A_194 = arith.constant 512 : i32
        %mul3A_195 = arith.muli %add3A_175, %mul3A_194 : i32
        %mul3A_196 = arith.constant 128 : i32
        %mul3A_197 = arith.muli %scan3A_18, %mul3A_196 : i32
        %add3A_198 = arith.addi %mul3A_195, %mul3A_197 : i32
        %add3A_199 = arith.constant 16 : i32
        %add3A_200 = arith.addi %add3A_198, %add3A_199 : i32
        %multiple_of3A_201 = tpu.assume_multiple %add3A_200, 16 : i32
        %get3A_202 = arith.index_cast %multiple_of3A_201 : i32 to index
        %get3A_203 = tpu.vector_load %arg5[%get3A_202] {strides = array<i32>} : memref<25600xi32, #tpu.memory_space<vmem>>, vector<16xi32>,
        %mul3A_204 = arith.constant 65 : i32
        %mul3A_205 = vector.broadcast %mul3A_204 : i32 to vector<16xi32>
        %mul3A_206 = arith.muli %get3A_203, %mul3A_205 : vector<16xi32>
        %mul3A_207 = arith.constant 512 : i32
        %mul3A_208 = arith.muli %add3A_175, %mul3A_207 : i32
        %mul3A_209 = arith.constant 128 : i32
        %mul3A_210 = arith.muli %scan3A_18, %mul3A_209 : i32
        %add3A_211 = arith.addi %mul3A_208, %mul3A_210 : i32
        %add3A_212 = arith.constant 32 : i32
        %add3A_213 = arith.addi %add3A_211, %add3A_212 : i32
        %multiple_of3A_214 = tpu.assume_multiple %add3A_213, 16 : i32
        %get3A_215 = arith.index_cast %multiple_of3A_214 : i32 to index
        %get3A_216 = tpu.vector_load %arg5[%get3A_215] {strides = array<i32>} : memref<25600xi32, #tpu.memory_space<vmem>>, vector<16xi32>,
        %mul3A_217 = arith.constant 65 : i32
        %mul3A_218 = vector.broadcast %mul3A_217 : i32 to vector<16xi32>
        %mul3A_219 = arith.muli %get3A_216, %mul3A_218 : vector<16xi32>
        %mul3A_220 = arith.constant 512 : i32
        %mul3A_221 = arith.muli %add3A_175, %mul3A_220 : i32
        %mul3A_222 = arith.constant 128 : i32
        %mul3A_223 = arith.muli %scan3A_18, %mul3A_222 : i32
        %add3A_224 = arith.addi %mul3A_221, %mul3A_223 : i32
        %add3A_225 = arith.constant 48 : i32
        %add3A_226 = arith.addi %add3A_224, %add3A_225 : i32
        %multiple_of3A_227 = tpu.assume_multiple %add3A_226, 16 : i32
        %get3A_228 = arith.index_cast %multiple_of3A_227 : i32 to index
        %get3A_229 = tpu.vector_load %arg5[%get3A_228] {strides = array<i32>} : memref<25600xi32, #tpu.memory_space<vmem>>, vector<16xi32>,
        %mul3A_230 = arith.constant 65 : i32
        %mul3A_231 = vector.broadcast %mul3A_230 : i32 to vector<16xi32>
        %mul3A_232 = arith.muli %get3A_229, %mul3A_231 : vector<16xi32>
        %mul3A_233 = arith.constant 512 : i32
        %mul3A_234 = arith.muli %add3A_175, %mul3A_233 : i32
        %mul3A_235 = arith.constant 128 : i32
        %mul3A_236 = arith.muli %scan3A_18, %mul3A_235 : i32
        %add3A_237 = arith.addi %mul3A_234, %mul3A_236 : i32
        %add3A_238 = arith.constant 64 : i32
        %add3A_239 = arith.addi %add3A_237, %add3A_238 : i32
        %multiple_of3A_240 = tpu.assume_multiple %add3A_239, 16 : i32
        %get3A_241 = arith.index_cast %multiple_of3A_240 : i32 to index
        %get3A_242 = tpu.vector_load %arg5[%get3A_241] {strides = array<i32>} : memref<25600xi32, #tpu.memory_space<vmem>>, vector<16xi32>,
        %mul3A_243 = arith.constant 65 : i32
        %mul3A_244 = vector.broadcast %mul3A_243 : i32 to vector<16xi32>
        %mul3A_245 = arith.muli %get3A_242, %mul3A_244 : vector<16xi32>
        %mul3A_246 = arith.constant 512 : i32
        %mul3A_247 = arith.muli %add3A_175, %mul3A_246 : i32
        %mul3A_248 = arith.constant 128 : i32
        %mul3A_249 = arith.muli %scan3A_18, %mul3A_248 : i32
        %add3A_250 = arith.addi %mul3A_247, %mul3A_249 : i32
        %add3A_251 = arith.constant 80 : i32
        %add3A_252 = arith.addi %add3A_250, %add3A_251 : i32
        %multiple_of3A_253 = tpu.assume_multiple %add3A_252, 16 : i32
        %get3A_254 = arith.index_cast %multiple_of3A_253 : i32 to index
        %get3A_255 = tpu.vector_load %arg5[%get3A_254] {strides = array<i32>} : memref<25600xi32, #tpu.memory_space<vmem>>, vector<16xi32>,
        %mul3A_256 = arith.constant 65 : i32
        %mul3A_257 = vector.broadcast %mul3A_256 : i32 to vector<16xi32>
        %mul3A_258 = arith.muli %get3A_255, %mul3A_257 : vector<16xi32>
        %mul3A_259 = arith.constant 512 : i32
        %mul3A_260 = arith.muli %add3A_175, %mul3A_259 : i32
        %mul3A_261 = arith.constant 128 : i32
        %mul3A_262 = arith.muli %scan3A_18, %mul3A_261 : i32
        %add3A_263 = arith.addi %mul3A_260, %mul3A_262 : i32
        %add3A_264 = arith.constant 96 : i32
        %add3A_265 = arith.addi %add3A_263, %add3A_264 : i32
        %multiple_of3A_266 = tpu.assume_multiple %add3A_265, 16 : i32
        %get3A_267 = arith.index_cast %multiple_of3A_266 : i32 to index
        %get3A_268 = tpu.vector_load %arg5[%get3A_267] {strides = array<i32>} : memref<25600xi32, #tpu.memory_space<vmem>>, vector<16xi32>,
        %mul3A_269 = arith.constant 65 : i32
        %mul3A_270 = vector.broadcast %mul3A_269 : i32 to vector<16xi32>
        %mul3A_271 = arith.muli %get3A_268, %mul3A_270 : vector<16xi32>
        %mul3A_272 = arith.constant 512 : i32
        %mul3A_273 = arith.muli %add3A_175, %mul3A_272 : i32
        %mul3A_274 = arith.constant 128 : i32
        %mul3A_275 = arith.muli %scan3A_18, %mul3A_274 : i32
        %add3A_276 = arith.addi %mul3A_273, %mul3A_275 : i32
        %add3A_277 = arith.constant 112 : i32
        %add3A_278 = arith.addi %add3A_276, %add3A_277 : i32
        %multiple_of3A_279 = tpu.assume_multiple %add3A_278, 16 : i32
        %get3A_280 = arith.index_cast %multiple_of3A_279 : i32 to index
        %get3A_281 = tpu.vector_load %arg5[%get3A_280] {strides = array<i32>} : memref<25600xi32, #tpu.memory_space<vmem>>, vector<16xi32>,
        %mul3A_282 = arith.constant 65 : i32
        %mul3A_283 = vector.broadcast %mul3A_282 : i32 to vector<16xi32>
        %mul3A_284 = arith.muli %get3A_281, %mul3A_283 : vector<16xi32>
        %parallel_loop3A_285 = arith.constant 0 : i32
        %parallel_loop3A_286 = arith.constant 64 : i32
        %parallel_loop3A_287 = arith.constant 1 : i32
        scf.for %parallel_loop3A_300 = %parallel_loop3A_285 to %parallel_loop3A_286 step %parallel_loop3A_287  : i32 {
          %parallel_loop3A_301 = vector.broadcast %parallel_loop3A_300 : i32 to vector<16xi32>
          %parallel_loop3A_302 = arith.addi %mul3A_193, %parallel_loop3A_301 : vector<16xi32>
          %parallel_loop3A_303 = tpu.vector_load_idx %arg6[%parallel_loop3A_302] : memref<3380xf32, #tpu.memory_space<vmem>>[vector<16xi32>], vector<16xf32>,
          %parallel_loop3A_304 = arith.index_cast %parallel_loop3A_300 : i32 to index
          %parallel_loop3A_305 = arith.constant 0 : index
          %parallel_loop3A_306 = tpu.vector_load %arg8[%parallel_loop3A_304, %parallel_loop3A_305] {strides = array<i32>} : memref<64x128xf32, #tpu.memory_space<vmem>>, vector<16xf32>,
          tpu.vector_store %arg8[%parallel_loop3A_304, %parallel_loop3A_305], %parallel_loop3A_303 {strides = array<i32>} : memref<64x128xf32, #tpu.memory_space<vmem>>, vector<16xf32>,
          %parallel_loop3A_307 = vector.broadcast %parallel_loop3A_300 : i32 to vector<16xi32>
          %parallel_loop3A_308 = arith.addi %mul3A_206, %parallel_loop3A_307 : vector<16xi32>
          %parallel_loop3A_309 = tpu.vector_load_idx %arg6[%parallel_loop3A_308] : memref<3380xf32, #tpu.memory_space<vmem>>[vector<16xi32>], vector<16xf32>,
          %parallel_loop3A_310 = arith.index_cast %parallel_loop3A_300 : i32 to index
          %parallel_loop3A_311 = arith.constant 16 : index
          %parallel_loop3A_312 = tpu.vector_load %arg8[%parallel_loop3A_310, %parallel_loop3A_311] {strides = array<i32>} : memref<64x128xf32, #tpu.memory_space<vmem>>, vector<16xf32>,
          tpu.vector_store %arg8[%parallel_loop3A_310, %parallel_loop3A_311], %parallel_loop3A_309 {strides = array<i32>} : memref<64x128xf32, #tpu.memory_space<vmem>>, vector<16xf32>,
          %parallel_loop3A_313 = vector.broadcast %parallel_loop3A_300 : i32 to vector<16xi32>
          %parallel_loop3A_314 = arith.addi %mul3A_219, %parallel_loop3A_313 : vector<16xi32>
          %parallel_loop3A_315 = tpu.vector_load_idx %arg6[%parallel_loop3A_314] : memref<3380xf32, #tpu.memory_space<vmem>>[vector<16xi32>], vector<16xf32>,
          %parallel_loop3A_316 = arith.index_cast %parallel_loop3A_300 : i32 to index
          %parallel_loop3A_317 = arith.constant 32 : index
          %parallel_loop3A_318 = tpu.vector_load %arg8[%parallel_loop3A_316, %parallel_loop3A_317] {strides = array<i32>} : memref<64x128xf32, #tpu.memory_space<vmem>>, vector<16xf32>,
          tpu.vector_store %arg8[%parallel_loop3A_316, %parallel_loop3A_317], %parallel_loop3A_315 {strides = array<i32>} : memref<64x128xf32, #tpu.memory_space<vmem>>, vector<16xf32>,
          %parallel_loop3A_319 = vector.broadcast %parallel_loop3A_300 : i32 to vector<16xi32>
          %parallel_loop3A_320 = arith.addi %mul3A_232, %parallel_loop3A_319 : vector<16xi32>
          %parallel_loop3A_321 = tpu.vector_load_idx %arg6[%parallel_loop3A_320] : memref<3380xf32, #tpu.memory_space<vmem>>[vector<16xi32>], vector<16xf32>,
          %parallel_loop3A_322 = arith.index_cast %parallel_loop3A_300 : i32 to index
          %parallel_loop3A_323 = arith.constant 48 : index
          %parallel_loop3A_324 = tpu.vector_load %arg8[%parallel_loop3A_322, %parallel_loop3A_323] {strides = array<i32>} : memref<64x128xf32, #tpu.memory_space<vmem>>, vector<16xf32>,
          tpu.vector_store %arg8[%parallel_loop3A_322, %parallel_loop3A_323], %parallel_loop3A_321 {strides = array<i32>} : memref<64x128xf32, #tpu.memory_space<vmem>>, vector<16xf32>,
          %parallel_loop3A_325 = vector.broadcast %parallel_loop3A_300 : i32 to vector<16xi32>
          %parallel_loop3A_326 = arith.addi %mul3A_245, %parallel_loop3A_325 : vector<16xi32>
          %parallel_loop3A_327 = tpu.vector_load_idx %arg6[%parallel_loop3A_326] : memref<3380xf32, #tpu.memory_space<vmem>>[vector<16xi32>], vector<16xf32>,
          %parallel_loop3A_328 = arith.index_cast %parallel_loop3A_300 : i32 to index
          %parallel_loop3A_329 = arith.constant 64 : index
          %parallel_loop3A_330 = tpu.vector_load %arg8[%parallel_loop3A_328, %parallel_loop3A_329] {strides = array<i32>} : memref<64x128xf32, #tpu.memory_space<vmem>>, vector<16xf32>,
          tpu.vector_store %arg8[%parallel_loop3A_328, %parallel_loop3A_329], %parallel_loop3A_327 {strides = array<i32>} : memref<64x128xf32, #tpu.memory_space<vmem>>, vector<16xf32>,
          %parallel_loop3A_331 = vector.broadcast %parallel_loop3A_300 : i32 to vector<16xi32>
          %parallel_loop3A_332 = arith.addi %mul3A_258, %parallel_loop3A_331 : vector<16xi32>
          %parallel_loop3A_333 = tpu.vector_load_idx %arg6[%parallel_loop3A_332] : memref<3380xf32, #tpu.memory_space<vmem>>[vector<16xi32>], vector<16xf32>,
          %parallel_loop3A_334 = arith.index_cast %parallel_loop3A_300 : i32 to index
          %parallel_loop3A_335 = arith.constant 80 : index
          %parallel_loop3A_336 = tpu.vector_load %arg8[%parallel_loop3A_334, %parallel_loop3A_335] {strides = array<i32>} : memref<64x128xf32, #tpu.memory_space<vmem>>, vector<16xf32>,
          tpu.vector_store %arg8[%parallel_loop3A_334, %parallel_loop3A_335], %parallel_loop3A_333 {strides = array<i32>} : memref<64x128xf32, #tpu.memory_space<vmem>>, vector<16xf32>,
          %parallel_loop3A_337 = vector.broadcast %parallel_loop3A_300 : i32 to vector<16xi32>
          %parallel_loop3A_338 = arith.addi %mul3A_271, %parallel_loop3A_337 : vector<16xi32>
          %parallel_loop3A_339 = tpu.vector_load_idx %arg6[%parallel_loop3A_338] : memref<3380xf32, #tpu.memory_space<vmem>>[vector<16xi32>], vector<16xf32>,
          %parallel_loop3A_340 = arith.index_cast %parallel_loop3A_300 : i32 to index
          %parallel_loop3A_341 = arith.constant 96 : index
          %parallel_loop3A_342 = tpu.vector_load %arg8[%parallel_loop3A_340, %parallel_loop3A_341] {strides = array<i32>} : memref<64x128xf32, #tpu.memory_space<vmem>>, vector<16xf32>,
          tpu.vector_store %arg8[%parallel_loop3A_340, %parallel_loop3A_341], %parallel_loop3A_339 {strides = array<i32>} : memref<64x128xf32, #tpu.memory_space<vmem>>, vector<16xf32>,
          %parallel_loop3A_343 = vector.broadcast %parallel_loop3A_300 : i32 to vector<16xi32>
          %parallel_loop3A_344 = arith.addi %mul3A_284, %parallel_loop3A_343 : vector<16xi32>
          %parallel_loop3A_345 = tpu.vector_load_idx %arg6[%parallel_loop3A_344] : memref<3380xf32, #tpu.memory_space<vmem>>[vector<16xi32>], vector<16xf32>,
          %parallel_loop3A_346 = arith.index_cast %parallel_loop3A_300 : i32 to index
          %parallel_loop3A_347 = arith.constant 112 : index
          %parallel_loop3A_348 = tpu.vector_load %arg8[%parallel_loop3A_346, %parallel_loop3A_347] {strides = array<i32>} : memref<64x128xf32, #tpu.memory_space<vmem>>, vector<16xf32>,
          tpu.vector_store %arg8[%parallel_loop3A_346, %parallel_loop3A_347], %parallel_loop3A_345 {strides = array<i32>} : memref<64x128xf32, #tpu.memory_space<vmem>>, vector<16xf32>,
        } {sc.loop_unroll_factor = 4 : i64, sc.parallel_access}
        %mul3A_288 = arith.constant 4 : i32
        %mul3A_289 = arith.muli %add3A, %mul3A_288 : i32
        %add3A_290 = arith.addi %mul3A_289, %scan3A_18 : i32
        %mul3A_291 = arith.constant 128 : i32
        %mul3A_292 = arith.muli %add3A_290, %mul3A_291 : i32
        %multiple_of3A_293 = tpu.assume_multiple %mul3A_292, 128 : i32
        %dma_start3A_294 = arith.constant 0 : i32
        %dma_start3A_295 = tpu.memref_slice %arg4[%add3A_175, %dma_start3A_294, %multiple_of3A_293] : memref<50x64x16384xf32, #tpu.memory_space<hbm>> -> memref<1x64x128xf32, #tpu.memory_space<hbm>>
        %dma_start3A_296 = tpu.memref_squeeze %dma_start3A_295 : memref<1x64x128xf32, #tpu.memory_space<hbm>> -> memref<64x128xf32, #tpu.memory_space<hbm>>
        %dma_start3A_297 = arith.constant 0 : i32
        %dma_start3A_298 = tpu.memref_slice %arg4[%add3A_175, %dma_start3A_297, %multiple_of3A_293] : memref<50x64x16384xf32, #tpu.memory_space<hbm>> -> memref<1x64x128xf32, #tpu.memory_space<hbm>>
        %dma_start3A_299 = tpu.memref_squeeze %dma_start3A_298 : memref<1x64x128xf32, #tpu.memory_space<hbm>> -> memref<64x128xf32, #tpu.memory_space<hbm>>
        tpu.enqueue_dma source(%arg8 : memref<64x128xf32, #tpu.memory_space<vmem>>) target(%dma_start3A_299 : memref<64x128xf32, #tpu.memory_space<hbm>>) target_semaphore(%arg11 : memref<!tpu.dma_semaphore, #tpu.memory_space<semaphore_mem>>)
      }
      %scan3A_24 = arith.constant 25 : i32
      %mul3A_25 = arith.constant 4 : i32
      %mul3A_26 = arith.muli %add3A, %mul3A_25 : i32
      %add3A_27 = arith.addi %mul3A_26, %scan3A_18 : i32
      %mul3A_28 = arith.constant 128 : i32
      %mul3A_29 = arith.muli %add3A_27, %mul3A_28 : i32
      %multiple_of3A = tpu.assume_multiple %mul3A_29, 128 : i32
      %dma_wait3A = arith.constant 48 : i32
      %dma_wait3A_30 = arith.constant 0 : i32
      %dma_wait3A_31 = tpu.memref_slice %arg4[%dma_wait3A, %dma_wait3A_30, %multiple_of3A] : memref<50x64x16384xf32, #tpu.memory_space<hbm>> -> memref<1x64x128xf32, #tpu.memory_space<hbm>>
      %dma_wait3A_32 = tpu.memref_squeeze %dma_wait3A_31 : memref<1x64x128xf32, #tpu.memory_space<hbm>> -> memref<64x128xf32, #tpu.memory_space<hbm>>
      %dma_wait3A_33 = arith.constant 0 : i32
      %dma_wait3A_34 = tpu.memref_slice %arg4[%dma_wait3A, %dma_wait3A_33, %multiple_of3A] : memref<50x64x16384xf32, #tpu.memory_space<hbm>> -> memref<1x64x128xf32, #tpu.memory_space<hbm>>
      %dma_wait3A_35 = tpu.memref_squeeze %dma_wait3A_34 : memref<1x64x128xf32, #tpu.memory_space<hbm>> -> memref<64x128xf32, #tpu.memory_space<hbm>>
      tpu.wait_dma2 semaphore(%arg10 : memref<!tpu.dma_semaphore, #tpu.memory_space<semaphore_mem>>) src(%arg7 : memref<64x128xf32, #tpu.memory_space<vmem>>) dst(%dma_wait3A_35 : memref<64x128xf32, #tpu.memory_space<hbm>>)
      %mul3A_36 = arith.constant 4 : i32
      %mul3A_37 = arith.muli %add3A, %mul3A_36 : i32
      %add3A_38 = arith.addi %mul3A_37, %scan3A_18 : i32
      %mul3A_39 = arith.constant 128 : i32
      %mul3A_40 = arith.muli %add3A_38, %mul3A_39 : i32
      %multiple_of3A_41 = tpu.assume_multiple %mul3A_40, 128 : i32
      %dma_wait3A_42 = arith.constant 49 : i32
      %dma_wait3A_43 = arith.constant 0 : i32
      %dma_wait3A_44 = tpu.memref_slice %arg4[%dma_wait3A_42, %dma_wait3A_43, %multiple_of3A_41] : memref<50x64x16384xf32, #tpu.memory_space<hbm>> -> memref<1x64x128xf32, #tpu.memory_space<hbm>>
      %dma_wait3A_45 = tpu.memref_squeeze %dma_wait3A_44 : memref<1x64x128xf32, #tpu.memory_space<hbm>> -> memref<64x128xf32, #tpu.memory_space<hbm>>
      %dma_wait3A_46 = arith.constant 0 : i32
      %dma_wait3A_47 = tpu.memref_slice %arg4[%dma_wait3A_42, %dma_wait3A_46, %multiple_of3A_41] : memref<50x64x16384xf32, #tpu.memory_space<hbm>> -> memref<1x64x128xf32, #tpu.memory_space<hbm>>
      %dma_wait3A_48 = tpu.memref_squeeze %dma_wait3A_47 : memref<1x64x128xf32, #tpu.memory_space<hbm>> -> memref<64x128xf32, #tpu.memory_space<hbm>>
      tpu.wait_dma2 semaphore(%arg11 : memref<!tpu.dma_semaphore, #tpu.memory_space<semaphore_mem>>) src(%arg8 : memref<64x128xf32, #tpu.memory_space<vmem>>) dst(%dma_wait3A_48 : memref<64x128xf32, #tpu.memory_space<hbm>>)
    }
    %scan3A_17 = arith.constant 4 : i32
    return
  }
}

</mosaic_0001>

<sc_bundles>
// kernel: kernel.3.cloned.1.call-start
scs
__scs_entry_jumppad:
0x0: {  	(pc) =	sbr.rel $0x88, $3  }
0x1: {  	(tag) =	ssettag $0x0;
	lr =	simm.s32 $0x1  }
0x2: {  	[smem:$0x3F9F] =	sst lr;
	_ =	strace $0xD0000000  }
0x3: {  	_ = 	snop  }
0x4: {  	_ = 	snop  }
0x5: {  	_ = 	snop  }
0x6: {  	_ = 	snop  }
0x7: {  	_ = 	snop  }
__scs_overlays_trampoline_lowered:
0x8: {  	[smem:$0x3FAE] =	sst s0  }
0x9: {  	[smem:$0x3FAF] =	sst s1  }
0xa: {  	[smem:$0x3FB0] =	sst s2  }
0xb: {  	[smem:$0x3FB1] =	sst s3  }
0xc: {  	[smem:$0x3FB2] =	sst s4  }
0xd: {  	[smem:$0x3FB3] =	sst s5  }
0xe: {  	[smem:$0x3FB4] =	sst s6  }
0xf: {  	[smem:$0x3FB5] =	sst s7  }
0x10: {  	[smem:$0x3FB6] =	sst s8  }
0x11: {  	[smem:$0x3FB7] =	sst s9;
	s0 =	simm.s32 @!p0 $0x0  }
0x12: {  	s1 =	sld [smem:$0x3F9D];
	s0 =	simm.s32 @p0 $0x1  }
0x13: {  	[smem:$0x3FB8] =	sst s0;
	s0 =	simm.s32 @!p1 $0x0  }
0x14: {  	s2 =	sld [smem:$0x3F9C];
	s0 =	simm.s32 @p1 $0x1  }
0x15: {  	[smem:$0x3FB9] =	sst s0;
	s0 =	simm.s32 @!p2 $0x0  }
0x16: {  	s3 =	sld [smem:$0x3FDB];
	s0 =	simm.s32 @p2 $0x1  }
0x17: {  	s4 =	simm.s32 $0x1BF5;
	[smem:$0x3FBB] =	sst s0  }
0x18: {  	s0 =	sld [smem:$0x3F9E];
	_ =	swait.ge [sflag:s4], $0x0  }
0x19: {  	s7 =	sld [smem:$0x3F9F]  }
0x1a: {  	s8 =	sadd.s32 $0xFFFFE003, lr  }
0x1b: {  	s9 =	sadd.s32 $0xFFFFFEF7, lr;
	s5 =	simm.s32 $0xFFFFFFFF;
	p2 =	slt.u32 s8, $0xFFFFF086  }
0x1c: {  	p1 =	slt.u32 s9, $0xF7A;
	s5 =	simm.s32 @!p2 $0x0  }
0x1d: {  	s5 =	simm.s32 @p1 $0x1;
	p0 =	seq.s32 s7, s2  }
0x1e: {  	s7 =	smul.u32 @!p0 $0xF7A, s2;
	p2 =	seq.s32 @!p0 s5, $0x0  }
0x1f: {  	s9 =	smul.u32 $0xF7A, s1;
	s8 =	simm.s32 @!p0 $0x1BF5;
	p2 =	por !p2, p0  }
0x20: {  	[sflag:s8] =	ssyncset.s32 @!p0 $0xFFFFF086;
	s6 =	sadd.s32 @!p0 s3, s7;
	s7 =	simm.s32 @!p0 $0x108  }
0x21: {  	s3 =	sadd.s32 s3, s9;
	s6 =	sadd.s32 @!p0 $0x88, s6;
	s7 =	simm.s32 @p2 $0x1082  }
0x22: {  	[simem:s7], [sflag:s8] =	dma.local @!p0 [hbm:s6], $0xF7A  }
0x23: {  	s9 =	sor.u32 $0xD0000000, s2;
	s6 =	simm.s32 $0x108;
	_ =	swait.ge @!p0 [sflag:s8], $0x0  }
0x24: {  	s3 =	sadd.s32 $0x88, s3;
	s6 =	simm.s32 @!p1 $0x1082;
	[sflag:s4] =	ssyncset.s32 $0xFFFFF086  }
0x25: {  	[simem:s6], [sflag:s4] =	dma.local [hbm:s3], $0xF7A  }
0x26: {  	[smem:$0x3F9F] =	sst s1;
	(tag) =	ssettag s2;
	_ =	strace s9  }
0x27: {  	s1 =	sld [smem:$0x3FAF]  }
0x28: {  	s2 =	sld [smem:$0x3FB0]  }
0x29: {  	s4 =	sld [smem:$0x3FB2]  }
0x2a: {  	p0 =	seq.s32 s5, $0x0;
	s5 =	sld [smem:$0x3FB3]  }
0x2b: {  	s6 =	sld [smem:$0x3FB4]  }
0x2c: {  	s7 =	sld [smem:$0x3FB5]  }
0x2d: {  	s3 =	simm.s32 $0x108;
	s8 =	sld [smem:$0x3FB6]  }
0x2e: {  	s3 =	simm.s32 @!p0 $0x1082;
	s9 =	sld [smem:$0x3FB7]  }
0x2f: {  	lr =	sadd.s32 s0, s3;
	s0 =	sld [smem:$0x3FAE]  }
0x30: {  	s3 =	sld [smem:$0x3FB1]  }
0x31: {  	[smem:$0x3FBA] =	sst s10  }
0x32: {  	s10 =	sld [smem:$0x3FB8];
	_ =	sdelay $0x3  }
0x33: {  	p0 =	seq.s32 s10, $0x1;
	s10 =	sld [smem:$0x3FBA];
	_ =	sdelay $0x3  }
0x34: {  	[smem:$0x3FBA] =	sst s10  }
0x35: {  	s10 =	sld [smem:$0x3FB9];
	_ =	sdelay $0x3  }
0x36: {  	p1 =	seq.s32 s10, $0x1;
	s10 =	sld [smem:$0x3FBA];
	_ =	sdelay $0x3  }
0x37: {  	[smem:$0x3FBA] =	sst s10  }
0x38: {  	s10 =	sld [smem:$0x3FBB]  }
0x39: {  	_ = 	snop;
	(pc) =	sbr.ind lr, $3  }
0x3a: {  	_ = 	snop  }
0x3b: {  	_ = 	snop  }
0x3c: {  	p2 =	seq.s32 s10, $0x1;
	s10 =	sld [smem:$0x3FBA]  }
0x3d: {  	_ =	shalt  }
0x3e: {  	_ =	shalt  }
0x3f: {  	_ =	shalt  }
0x40: {  	_ =	shalt  }
0x41: {  	_ =	shalt  }
0x42: {  	_ =	shalt  }
0x43: {  	_ =	shalt  }
0x44: {  	_ =	shalt  }
0x45: {  	_ =	shalt  }
0x46: {  	_ =	shalt  }
0x47: {  	_ =	shalt  }
0x48: {  	_ =	shalt  }
0x49: {  	_ =	shalt  }
0x4a: {  	_ =	shalt  }
0x4b: {  	_ =	shalt  }
0x4c: {  	_ =	shalt  }
0x4d: {  	_ =	shalt  }
0x4e: {  	_ =	shalt  }
0x4f: {  	_ =	shalt  }
0x50: {  	_ =	shalt  }
0x51: {  	_ =	shalt  }
0x52: {  	_ =	shalt  }
0x53: {  	_ =	shalt  }
0x54: {  	_ =	shalt  }
0x55: {  	_ =	shalt  }
0x56: {  	_ =	shalt  }
0x57: {  	_ =	shalt  }
0x58: {  	_ =	shalt  }
0x59: {  	_ =	shalt  }
0x5a: {  	_ =	shalt  }
0x5b: {  	_ =	shalt  }
0x5c: {  	_ =	shalt  }
0x5d: {  	_ =	shalt  }
0x5e: {  	_ =	shalt  }
0x5f: {  	_ =	shalt  }
0x60: {  	_ =	shalt  }
0x61: {  	_ =	shalt  }
0x62: {  	_ =	shalt  }
0x63: {  	_ =	shalt  }
0x64: {  	_ =	shalt  }
0x65: {  	_ =	shalt  }
0x66: {  	_ =	shalt  }
0x67: {  	_ =	shalt  }
0x68: {  	_ =	shalt  }
0x69: {  	_ =	shalt  }
0x6a: {  	_ =	shalt  }
0x6b: {  	_ =	shalt  }
0x6c: {  	_ =	shalt  }
0x6d: {  	_ =	shalt  }
0x6e: {  	_ =	shalt  }
0x6f: {  	_ =	shalt  }
0x70: {  	_ =	shalt  }
0x71: {  	_ =	shalt  }
0x72: {  	_ =	shalt  }
0x73: {  	_ =	shalt  }
0x74: {  	_ =	shalt  }
0x75: {  	_ =	shalt  }
0x76: {  	_ =	shalt  }
0x77: {  	_ =	shalt  }
0x78: {  	_ =	shalt  }
0x79: {  	_ =	shalt  }
0x7a: {  	_ =	shalt  }
0x7b: {  	_ =	shalt  }
0x7c: {  	_ =	shalt  }
0x7d: {  	_ =	shalt  }
0x7e: {  	_ =	shalt  }
0x7f: {  	_ =	shalt  }
0x80: {  	_ =	shalt  }
0x81: {  	_ =	shalt  }
0x82: {  	_ =	shalt  }
0x83: {  	_ =	shalt  }
0x84: {  	_ =	shalt  }
0x85: {  	_ =	shalt  }
0x86: {  	_ =	shalt  }
0x87: {  	_ =	shalt  }
.Lfunc_end0:
.L_simem_size_0:
called_computation_lowered:
.L_overlay_start_0:
0x88: {  	s2 =	sld [smem:$0x3FD9]  }
0x89: {  	s3 =	sld [smem:$0x3FFE];
	_ =	sdelay $0x1  }
0x8a: {  	s1 =	srdreg.scid  }
0x8b: {  	s0 =	sand.u32 $0x1, s1  }
0x8c: {  	s17 =	sshll.u32 s0, $0xA;
	s2 =	sadd.s32 s3, s2  }
0x8d: {  	s2 =	sadd.s32 s2, s17  }
0x8e: {  	[smem:$0x3FC6] =	sst s2  }
0x8f: {  	_ = 	snop  }
0x90: {  	s2 =	sld [smem:$0x3FD0];
	(tm) =	ssettm $0x1  }
0x91: {  	s18 =	sld [smem:$0x3FFB];
	_ =	sdelay $0x3  }
0x92: {  	_ =	strace s18  }
0x93: {  	s3 =	sld [smem:$0x3FFC];
	_ =	sdelay $0x3  }
0x94: {  	_ =	strace s3  }
0x95: {  	s3 =	sld [smem:$0x3FFD];
	_ =	sdelay $0x3  }
0x96: {  	_ =	strace s3  }
0x97: {  	_ =	strace $0x8FFFFFFF  }
0x98: {  	s19 =	sld [smem:$0x3FDB];
	_ =	sdelay $0x1  }
0x99: {  	s4 =	simm.s32 $_scs_section_size  }
0x9a: {  	s5 =	simm.s32 $_size__tile_overlayer_lowered;
	s6 =	simm.s32 $_tile_overlayer_lowered  }
0x9b: {  	s22 =	simm.s32 $0x1BFF;
	s21 =	sshll.u32 s6, $0x1;
	s3 =	sadd.s32 s4, s19  }
0x9c: {  	s7 =	simm.s32 $0x0;
	s20 =	sshll.u32 s5, $0x1;
	s5 =	sadd.s32 s21, s3  }
0x9d: {  	[timem:s7], [sflag:s22] =	dma.local [hbm:s5], s20  }
0x9e: {  	_ =	swait.ge [sflag:s22], s20  }
0x9f: {  	s4 =	ssub.s32 $0x0, s20;
	[sflag:s22] =	ssyncset.done $0x0  }
0xa0: {  	[sflag:s22] =	ssyncadd.s32 s4;
	_ =	sdelay $0x1  }
0xa1: {  	s23 =	simm.s32 $0x1B8B  }
0xa2: {  	_ =	swait.ge [sflag:s23], $0x1  }
0xa3: {  	[sflag:s23] =	ssyncset.done $0x0  }
0xa4: {  	s25 =	simm.s32 $0x1B8E;
	s24 =	sld [smem:$0x3FFE];
	[sflag:s23] =	ssyncadd.s32 $0xFFFFFFFF  }
0xa5: {  	s26 =	simm.s32 $execute0_lowered;
	[smem:$0x3FD2] =	sst s25  }
0xa6: {  	s5 =	sshll.u32 s26, $0x1;
	_ =	strace $0x80000046;
	[dreg:$0x1] =	wrdreg $0xFFFFFFFF  }
0xa7: {  	s28 =	simm.s32 $_size_execute0_lowered;
	s3 =	sadd.s32 s3, s5;
	[dreg:$0x0] =	wrdreg $0x0  }
0xa8: {  	s5 =	sshll.u32 s28, $0x1;
	[dreg:$0x2] =	wrdreg s3  }
0xa9: {  	[dreg:$0x3] =	wrdreg s5  }
0xaa: {  	[dreg:$0x4] =	wrdreg $0xC0  }
0xab: {  	_ =	task [dreg:s7], $0x5FFFF  }
0xac: {  	[dreg:$0x1] =	wrdreg $0xFFFFFFFF  }
0xad: {  	[dreg:$0x0] =	wrdreg $0x60  }
0xae: {  	[dreg:$0x2] =	wrdreg s24  }
0xaf: {  	[dreg:$0x3] =	wrdreg s2  }
0xb0: {  	[dreg:$0x4] =	wrdreg $0x9  }
0xb1: {  	_ =	task.clear_ibuf [dreg:s7], $0x5FFFF;
	_ =	strace $0x90000046  }
0xb2: {  	s29 =	simm.s32 $0x9;
	_ =	strace $0x80000048  }
0xb3: {  	_ =	swait.ge [sflag:s29], $0x1  }
0xb4: {  	[sflag:s29] =	ssyncadd.s32 $0xFFFFFFFF  }
0xb5: {  	_ =	strace $0x90000048  }
0xb6: {  	_ =	sfence  }
0xb7: {  	s30 =	sld [smem:$0x0];
	_ =	sdelay $0x2  }
0xb8: {  	s31 =	sshll.u32 s1, $0xD;
	s1 =	sshrl.u32 s1, $0x2  }
0xb9: {  	s3 =	sand.u32 $0x4000, s31;
	s1 =	sadd.s32 s1, s30  }
0xba: {  	s0 =	sor.u32 s3, s0;
	s1 =	sshll.u32 s1, $0x11  }
0xbb: {  	s0 =	sor.u32 s1, s0  }
0xbc: {  	s0 =	sadd.s32 $0x8F2B, s0  }
0xbd: {  	[sflag:s0] =	ssyncadd.remote.s32 $0x1  }
0xbe: {  	_ =	sfence.sel $0xFFFF  }
0xbf: {  	[dreg:$0x0] =	wrdreg $0xFFFFFFFF;
	(pc) =	sbr.abs _section_cstart, $3  }
0xc0: {  	[dreg:$0x1] =	wrdreg $0xFFFFFFFF  }
0xc1: {  	_ =	task.clear_ibuf [dreg:s7], $0x2FFFF;
	_ =	strace $0x9FFFFFFF  }
0xc2: {  	(tm) =	ssettm $0x7FFFFFFF  }
0xc3: {  	_ =	shalt  }
tec
execute0_lowered:
.L_overlay_start_1:
0x0: {  	(tag) =	ssettag $0x1  }
0x1: {  	s0 =	rddreg [dreg:$0x0]  }
0x2: {  	s1 =	rddreg [dreg:$0x1]  }
0x3: {  	s3 =	simm.s32 $0x0;
	s2 =	srdreg.scid;
	s6 =	stileid.u32  }
0x4: {  	s8 =	simm.s32 $0x6400;
	s10 =	simm.s32 $0x1;
	s11 =	simm.s32 $0x400  }
0x5: {  	s12 =	simm.s32 $0x20000;
	s13 =	simm.s32 $0x7180;
	s14 =	simm.s32 $0x9180  }
0x6: {  	s15 =	simm.s32 $0x2;
	s16 =	simm.s32 $0x3;
	s17 =	simm.s32 $0x0  }
0x7: {  	[smem:$0x7FF] =	sst s3;
	s2 =	sand.u32 $0x1, s2;
	s4 =	sshll.u32 s6, $0x7  }
0x8: {  	_ =	strace $0x80000047;
	s5 =	ssub.s32 $0x2, s2;
	s4 =	sadd.s32 s4, s0  }
0x9: {  	s0 =	sadd.s32 $0x400, s0;
	s7 =	sshll.u32 s2, $0xC;
	s31 =	sshrl.u32 s5, $0x1  }
0xa: {  	s2 =	sshll.u32 s2, $0x6;
	[dreg:$0x3] =	wrdreg s0;
	s0 =	ssub.s32 s5, s31  }
0xb: {  	s6 =	sshll.u32 s6, $0xD;
	s2 =	sadd.s32 s2, s4;
	s0 =	smax.u32 s0, $0x1  }
0xc: {  	s5 =	sor.u32 s7, s6;
	s7 =	sadd.s32 $0x600, s2;
	[dreg:$0x4] =	wrdreg s0  }
.LBB2_1:
0xd: {  	s0 =	simm.s32 $0x800;
	s2 =	simm.s32 $0x0;
	s4 =	sadd.s32 $0x0, s7  }
.LBB2_2:
0xe: {  	[tilespmem:s2], [sflag:$0x1] =	stream.linear.gather [hbm4b:s4+s3], $0x200, $0x38;
	[tilespmem:$0xB180] =	vst v63  }
0xf: {  	s4 =	smov.u32 s0;
	p0 =	sne.s32 s0, $0x18800  }
.Ltmp0:
0x10: {  	s0 =	sadd.s32 $0x800, s0;
	(pc) =	sbr.rel @p0 .LBB2_2-.Ltmp0, $2  }
0x11: {  	_ =	sdelay $0x2  }
0x12: {  	s2 =	sshra.s32 s4, $0x2;
	s4 =	sadd.s32 s4, s7  }
0x13: {  	[tilespmem:s2], [sflag:$0x1] =	stream.linear.gather [hbm4b:s4+s3], $0x200, $0x38;
	[tilespmem:$0xB180] =	vst v63  }
0x14: {  	s0 =	rddreg [dreg:$0x3];
	s31 =	simm.s32 $0x4  }
0x15: {  	[tilespmem:s8], [sflag:$0x4] =	stream.linear.gather [hbm4b:s0+s3], $0xD80, $0x38;
	[tilespmem:$0xB180] =	vst v63  }
0x16: {  	_ =	swait.ge [sflag:s31], $0xD80  }
0x17: {  	[sflag:s31] =	ssyncset.done $0x0  }
0x18: {  	[sflag:s31] =	ssyncadd.s32 $0xFFFFF280  }
0x19: {  	_ =	swait.ge [sflag:s10], $0x200  }
0x1a: {  	s0 =	simm.s32 $0x31;
	[sflag:s10] =	ssyncset.done $0x0  }
.LBB2_4:
0x1b: {  	p0 =	sne.s32 s0, $0x1;
	s0 =	sadd.s32 $0xFFFFFFFF, s0;
	[sflag:s10] =	ssyncadd.s32 $0xFFFFFE00  }
.Ltmp1:
0x1c: {  	(pc) =	sbr.rel @p0 .LBB2_4-.Ltmp1, $3  }
0x1d: {  	_ =	sdelay $0x1  }
0x1e: {  	_ =	swait.ge [sflag:s10], $0x200  }
0x1f: {  	s18 =	simm.s32 $0x0;
	[sflag:s10] =	ssyncset.done $0x0  }
0x20: {  	[sflag:s10] =	ssyncadd.s32 $0xFFFFFE00  }
.LBB2_6:
0x21: {  	s0 =	sshll.u32 s18, $0x9  }
0x22: {  	s2 =	sshll.u32 s18, $0xA;
	s0 =	sshra.s32 s0, $0x2  }
0x23: {  	s20 =	simm.s32 $0x0;
	s19 =	sadd.s32 s5, s2;
	v0 =	vmov s0  }
.LBB2_7:
0x24: {  	p0 =	seq.s32 s20, $0x0  }
0x25: {  	s0 =	simm.s32 @!p0 $0x2  }
0x26: {  	_ =	swait.ge @!p0 [sflag:s0], $0x2000  }
0x27: {  	s2 =	sshll.u32 s20, $0xA;
	[sflag:s0] =	ssyncset.done @!p0 $0x0  }
0x28: {  	s6 =	sand.u32 $0x3FFFFC00, s2;
	[sflag:s0] =	ssyncadd.s32 @!p0 $0xFFFFE000  }
0x29: {  	v1 =	vld.idx.msk [tilespmem:v0+s6+$0x0 ss:$0x1], $0xffff;
	_ =	sdelay $0x4  }
0x2a: {  	v8 =	vmul.u32 $0x41, v1  }
0x2b: {  	s4 =	simm.s32 $0x3;
	v1 =	vld.idx.msk [tilespmem:v0+s6+$0x10 ss:$0x1], $0xffff  }
0x2c: {  	s0 =	simm.s32 $0x1;
	v3 =	vadd.s32 s4, v8  }
0x2d: {  	s9 =	simm.s32 $0x2;
	v2 =	vld.idx.msk [tilespmem:v0+s6+$0x20 ss:$0x1], $0xffff;
	v5 =	vadd.s32 s0, v8  }
0x2e: {  	v4 =	vld.idx.msk [tilespmem:v0+s6+$0x30 ss:$0x1], $0xffff;
	v6 =	vadd.s32 s9, v8  }
0x2f: {  	v9 =	vld.idx.msk [tilespmem:v0+s6+$0x40 ss:$0x1], $0xffff  }
0x30: {  	v10 =	vld.idx.msk [tilespmem:v0+s6+$0x50 ss:$0x1], $0xffff;
	v7 =	vmul.u32 $0x41, v1  }
0x31: {  	v1 =	vld.idx.msk [tilespmem:v3+s8+$0x0], $0xffff  }
0x32: {  	v3 =	vld.idx.msk [tilespmem:v5+s8+$0x0], $0xffff;
	v5 =	vadd.s32 s4, v7  }
0x33: {  	v12 =	vld.idx.msk [tilespmem:v6+s8+$0x0], $0xffff;
	v13 =	vadd.s32 s0, v7  }
0x34: {  	v11 =	vld.idx.msk [tilespmem:v0+s6+$0x60 ss:$0x1], $0xffff;
	v15 =	vadd.s32 s9, v7  }
0x35: {  	s26 =	simm.s32 $0x7280;
	v16 =	vld.idx.msk [tilespmem:v8+s8+$0x0], $0xffff  }
0x36: {  	v14 =	vld.idx.msk [tilespmem:v0+s6+$0x70 ss:$0x1], $0xffff;
	v6 =	vmul.u32 $0x41, v2;
	[tilespmem:s26+$0x80] =	vst v1  }
0x37: {  	[tilespmem:s26+$0xFFFFFF80] =	vst v3;
	v1 =	vld.idx.msk [tilespmem:v5+s8+$0x0], $0xffff  }
0x38: {  	[tilespmem:s26+$0x0] =	vst v12;
	v3 =	vadd.s32 s4, v6;
	v2 =	vld.idx.msk [tilespmem:v13+s8+$0x0], $0xffff  }
0x39: {  	v12 =	vadd.s32 s0, v6;
	v5 =	vld.idx.msk [tilespmem:v15+s8+$0x0], $0xffff  }
0x3a: {  	[tilespmem:s26+$0xFFFFFF00] =	vst v16;
	v13 =	vadd.s32 s9, v6  }
0x3b: {  	v15 =	vld.idx.msk [tilespmem:v7+s8+$0x0], $0xffff  }
0x3c: {  	v4 =	vmul.u32 $0x41, v4;
	[tilespmem:s26+$0x90] =	vst v1  }
0x3d: {  	[tilespmem:s26+$0xFFFFFF90] =	vst v2;
	v2 =	vld.idx.msk [tilespmem:v3+s8+$0x0], $0xffff  }
0x3e: {  	[tilespmem:s26+$0x10] =	vst v5;
	v5 =	vadd.s32 s4, v4;
	v3 =	vld.idx.msk [tilespmem:v12+s8+$0x0], $0xffff  }
0x3f: {  	v12 =	vld.idx.msk [tilespmem:v13+s8+$0x0], $0xffff;
	v13 =	vadd.s32 s0, v4  }
0x40: {  	s22 =	simm.s32 $0x5;
	[tilespmem:s26+$0xFFFFFF10] =	vst v15;
	v15 =	vadd.s32 s9, v4  }
0x41: {  	v16 =	vadd.s32 s22, v8;
	v17 =	vld.idx.msk [tilespmem:v6+s8+$0x0], $0xffff  }
0x42: {  	s21 =	simm.s32 $0x6;
	v1 =	vmul.u32 $0x41, v9;
	[tilespmem:s26+$0xA0] =	vst v2  }
0x43: {  	v9 =	vadd.s32 s21, v8;
	[tilespmem:s26+$0xFFFFFFA0] =	vst v3;
	v3 =	vld.idx.msk [tilespmem:v5+s8+$0x0], $0xffff  }
0x44: {  	[tilespmem:s26+$0x20] =	vst v12;
	v5 =	vld.idx.msk [tilespmem:v13+s8+$0x0], $0xffff;
	v13 =	vadd.s32 s4, v1  }
0x45: {  	v18 =	vadd.s32 s0, v1;
	v15 =	vld.idx.msk [tilespmem:v15+s8+$0x0], $0xffff  }
0x46: {  	s28 =	simm.s32 $0x7;
	v16 =	vld.idx.msk [tilespmem:v16+s8+$0x0], $0xffff;
	[tilespmem:s26+$0xFFFFFF20] =	vst v17;
	v17 =	vadd.s32 s9, v1  }
0x47: {  	v20 =	vadd.s32 s28, v8;
	v19 =	vld.idx.msk [tilespmem:v4+s8+$0x0], $0xffff  }
0x48: {  	s23 =	simm.s32 $0x0;
	v9 =	vld.idx.msk [tilespmem:v9+s8+$0x0], $0xffff;
	v12 =	vadd.s32 $0x4, v8;
	v2 =	vmul.u32 $0x41, v10;
	[tilespmem:s26+$0xB0] =	vst v3  }
0x49: {  	[tilespmem:s26+$0xFFFFFFB0] =	vst v5;
	v5 =	vadd.s32 s23, v12;
	v3 =	vld.idx.msk [tilespmem:v13+s8+$0x0], $0xffff  }
0x4a: {  	[tilespmem:s26+$0x30] =	vst v15;
	v10 =	vld.idx.msk [tilespmem:v18+s8+$0x0], $0xffff;
	v13 =	vadd.s32 s4, v2  }
0x4b: {  	v15 =	vld.idx.msk [tilespmem:v17+s8+$0x0], $0xffff;
	v17 =	vadd.s32 s0, v2  }
0x4c: {  	s24 =	simm.s32 $0x9;
	[tilespmem:s26+$0xFFFFFF30] =	vst v19;
	v19 =	vadd.s32 s9, v2;
	v18 =	vld.idx.msk [tilespmem:v20+s8+$0x0], $0xffff  }
0x4d: {  	v20 =	vadd.s32 s24, v8;
	v21 =	vld.idx.msk [tilespmem:v1+s8+$0x0], $0xffff  }
0x4e: {  	v23 =	vadd.s32 s21, v7;
	v22 =	vld.idx.msk [tilespmem:v5+s8+$0x0], $0xffff;
	[tilespmem:s26+$0xC0] =	vst v3  }
0x4f: {  	v5 =	vadd.s32 s28, v7;
	v3 =	vmul.u32 $0x41, v11;
	[tilespmem:s26+$0xFFFFFFC0] =	vst v10;
	v10 =	vld.idx.msk [tilespmem:v13+s8+$0x0], $0xffff  }
0x50: {  	s25 =	simm.s32 $0x7480;
	v11 =	vadd.s32 s22, v7;
	[tilespmem:s26+$0x40] =	vst v15;
	v24 =	vld.idx.msk [tilespmem:v17+s8+$0x0], $0xffff  }
0x51: {  	[tilespmem:s25+$0x0] =	vst v9;
	v13 =	vadd.s32 $0x4, v7;
	v15 =	vld.idx.msk [tilespmem:v19+s8+$0x0], $0xffff;
	v19 =	vadd.s32 s4, v3  }
0x52: {  	[tilespmem:s25+$0x80] =	vst v18;
	v17 =	vld.idx.msk [tilespmem:v20+s8+$0x0], $0xffff;
	v18 =	vadd.s32 s23, v13  }
0x53: {  	[tilespmem:s25+$0xFFFFFF80] =	vst v16;
	v20 =	vld.idx.msk [tilespmem:v23+s8+$0x0], $0xffff  }
0x54: {  	v16 =	vld.idx.msk [tilespmem:v5+s8+$0x0], $0xffff;
	[tilespmem:s25+$0xFFFFFF00] =	vst v22;
	v22 =	vadd.s32 s21, v6  }
0x55: {  	v23 =	vadd.s32 s28, v6;
	v11 =	vld.idx.msk [tilespmem:v11+s8+$0x0], $0xffff;
	[tilespmem:s26+$0xD0] =	vst v10  }
0x56: {  	[tilespmem:s26+$0xFFFFFF40] =	vst v21;
	v5 =	vmul.u32 $0x41, v14;
	v10 =	vadd.s32 s22, v6;
	v19 =	vld.idx.msk [tilespmem:v19+s8+$0x0], $0xffff  }
0x57: {  	v9 =	vadd.s32 s0, v3;
	[tilespmem:s26+$0xFFFFFFD0] =	vst v24;
	v18 =	vld.idx.msk [tilespmem:v18+s8+$0x0], $0xffff  }
0x58: {  	v21 =	vld.idx.msk [tilespmem:v2+s8+$0x0], $0xffff;
	v14 =	vadd.s32 $0x4, v6;
	v24 =	vadd.s32 s4, v5;
	[tilespmem:s25+$0x10] =	vst v20  }
0x59: {  	[tilespmem:s25+$0x90] =	vst v16;
	v16 =	vadd.s32 s23, v14;
	v20 =	vld.idx.msk [tilespmem:v22+s8+$0x0], $0xffff  }
0x5a: {  	[tilespmem:s25+$0xFFFFFF90] =	vst v11;
	v11 =	vld.idx.msk [tilespmem:v23+s8+$0x0], $0xffff;
	v23 =	vadd.s32 s9, v3  }
0x5b: {  	v22 =	vadd.s32 s28, v4;
	v10 =	vld.idx.msk [tilespmem:v10+s8+$0x0], $0xffff;
	[tilespmem:s26+$0xE0] =	vst v19  }
0x5c: {  	s30 =	simm.s32 $0xA;
	v9 =	vld.idx.msk [tilespmem:v9+s8+$0x0], $0xffff;
	[tilespmem:s25+$0xFFFFFF10] =	vst v18;
	v18 =	vadd.s32 s22, v4  }
0x5d: {  	v27 =	vadd.s32 s30, v8;
	[tilespmem:s26+$0x50] =	vst v15;
	v24 =	vld.idx.msk [tilespmem:v24+s8+$0x0], $0xffff  }
0x5e: {  	v26 =	vadd.s32 s21, v4;
	[tilespmem:s26+$0xFFFFFF50] =	vst v21;
	v25 =	vld.idx.msk [tilespmem:v16+s8+$0x0], $0xffff  }
0x5f: {  	v30 =	vld.idx.msk [tilespmem:v23+s8+$0x0], $0xffff;
	[tilespmem:s25+$0xA0] =	vst v11  }
0x60: {  	v31 =	vadd.s32 s0, v5;
	v16 =	vadd.s32 $0x4, v4;
	[tilespmem:s25+$0xFFFFFFA0] =	vst v10;
	v21 =	vld.idx.msk [tilespmem:v22+s8+$0x0], $0xffff  }
0x61: {  	v23 =	vadd.s32 s23, v16;
	v22 =	vld.idx.msk [tilespmem:v18+s8+$0x0], $0xffff  }
0x62: {  	[tilespmem:s25+$0x20] =	vst v20;
	v18 =	vld.idx.msk [tilespmem:v27+s8+$0x0], $0xffff;
	v27 =	vadd.s32 s9, v5  }
0x63: {  	[tilespmem:s26+$0xFFFFFFE0] =	vst v9;
	v20 =	vld.idx.msk [tilespmem:v26+s8+$0x0], $0xffff;
	v26 =	vadd.s32 s28, v1  }
0x64: {  	v29 =	vadd.s32 s22, v1;
	v19 =	vld.idx.msk [tilespmem:v3+s8+$0x0], $0xffff;
	[tilespmem:s26+$0xF0] =	vst v24  }
0x65: {  	s29 =	sshll.u32 s20, $0x1;
	s31 =	simm.s32 $0x4;
	v28 =	vadd.s32 s21, v1;
	v15 =	vadd.s32 $0x4, v1;
	v24 =	vld.idx.msk [tilespmem:v31+s8+$0x0], $0xffff;
	[tilespmem:s25+$0xFFFFFF20] =	vst v25  }
0x66: {  	s2 =	simm.s32 $0xC;
	s4 =	simm.s32 $0x8;
	s0 =	simm.s32 $0xB;
	v9 =	vadd.s32 $0x4, v5;
	v11 =	vadd.s32 $0x4, v2;
	v10 =	vadd.s32 $0x4, v3;
	v25 =	vmovc v5;
	v23 =	vld.idx.msk [tilespmem:v23+s8+$0x0], $0xffff;
	[tilespmem:s26+$0x60] =	vst v30  }
.LBB2_8:
0x67: {  	p1 =	slt.u32 s2, $0x3C;
	v30 =	vadd.s32 s0, v8;
	[tilespmem:s25+$0xB0] =	vst v21;
	v21 =	vld.idx.msk [tilespmem:v27+s8+$0x0], $0xffff;
	s6 =	smov.u32 s31;
	s31 =	smov.u32 s4  }
0x68: {  	s4 =	smov.u32 s2;
	[tilespmem:s25+$0xFFFFFFB0] =	vst v22;
	v22 =	vld.idx.msk [tilespmem:v26+s8+$0x0], $0xffff;
	v26 =	vadd.s32 s23, v15  }
0x69: {  	v27 =	vadd.s32 s6, v12;
	v29 =	vld.idx.msk [tilespmem:v29+s8+$0x0], $0xffff;
	[tilespmem:s25+$0x30] =	vst v20  }
0x6a: {  	v20 =	vld.idx.msk [tilespmem:v28+s8+$0x0], $0xffff;
	v28 =	vadd.s32 s28, v2;
	[tilespmem:s26+$0xFFFFFF60] =	vst v19  }
0x6b: {  	v19 =	vadd.s32 s22, v2;
	[tilespmem:s25+$0xFFFFFF30] =	vst v23;
	v23 =	vld.idx.msk [tilespmem:v25+s8+$0x0], $0xffff  }
0x6c: {  	s9 =	sadd.s32 $0x1, s2;
	v25 =	vld.idx.msk [tilespmem:v30+s8+$0x0], $0xffff;
	v30 =	vadd.s32 s21, v2;
	[tilespmem:s26+$0xFFFFFFF0] =	vst v24  }
0x6d: {  	v24 =	vadd.s32 s9, v8;
	v26 =	vld.idx.msk [tilespmem:v26+s8+$0x0], $0xffff;
	[tilespmem:s26+$0x70] =	vst v21  }
0x6e: {  	v21 =	vld.idx.msk [tilespmem:v27+s8+$0x0], $0xffff;
	v27 =	vadd.s32 s0, v7;
	[tilespmem:s25+$0xC0] =	vst v22  }
0x6f: {  	v22 =	vadd.s32 s24, v7;
	[tilespmem:s25+$0xFFFFFFC0] =	vst v29;
	v28 =	vld.idx.msk [tilespmem:v28+s8+$0x0], $0xffff  }
0x70: {  	v29 =	vadd.s32 s30, v7;
	v19 =	vld.idx.msk [tilespmem:v19+s8+$0x0], $0xffff;
	[tilespmem:s25+$0x40] =	vst v20  }
0x71: {  	v20 =	vld.idx.msk [tilespmem:v30+s8+$0x0], $0xffff;
	v30 =	vadd.s32 s28, v3;
	[tilespmem:s26+$0xFFFFFF70] =	vst v23;
	s26 =	smov.u32 s25;
	s25 =	sadd.s32 $0x200, s25  }
0x72: {  	v23 =	vld.idx.msk [tilespmem:v24+s8+$0x0], $0xffff;
	[tilespmem:s25+$0x80] =	vst v25;
	v24 =	vadd.s32 s6, v13  }
0x73: {  	[tilespmem:s25+$0xFFFFFF80] =	vst v17;
	v25 =	vld.idx.msk [tilespmem:v27+s8+$0x0], $0xffff;
	v17 =	vadd.s32 s23, v11  }
0x74: {  	v22 =	vld.idx.msk [tilespmem:v22+s8+$0x0], $0xffff;
	[tilespmem:s25+$0x0] =	vst v18;
	v18 =	vadd.s32 s22, v3  }
0x75: {  	v27 =	vld.idx.msk [tilespmem:v29+s8+$0x0], $0xffff;
	v29 =	vadd.s32 s0, v6;
	[tilespmem:s26+$0xD0] =	vst v28  }
0x76: {  	[tilespmem:s25+$0xFFFFFF00] =	vst v21;
	v21 =	vadd.s32 s24, v6;
	v28 =	vld.idx.msk [tilespmem:v30+s8+$0x0], $0xffff  }
0x77: {  	v30 =	vadd.s32 s30, v6;
	v24 =	vld.idx.msk [tilespmem:v24+s8+$0x0], $0xffff;
	[tilespmem:s26+$0xFFFFFF40] =	vst v26  }
0x78: {  	v26 =	vld.idx.msk [tilespmem:v17+s8+$0x0], $0xffff;
	[tilespmem:s26+$0xFFFFFFD0] =	vst v19;
	v19 =	vadd.s32 s28, v5;
	v17 =	vmov v23;
	s28 =	smov.u32 s0  }
0x79: {  	v23 =	vadd.s32 s6, v14;
	[tilespmem:s25+$0x90] =	vst v25;
	v25 =	vld.idx.msk [tilespmem:v18+s8+$0x0], $0xffff  }
0x7a: {  	[tilespmem:s25+$0xFFFFFF90] =	vst v22;
	v18 =	vld.idx.msk [tilespmem:v29+s8+$0x0], $0xffff;
	v22 =	vadd.s32 s21, v3  }
0x7b: {  	v21 =	vld.idx.msk [tilespmem:v21+s8+$0x0], $0xffff;
	[tilespmem:s25+$0x10] =	vst v27;
	v27 =	vadd.s32 s23, v10  }
0x7c: {  	v29 =	vld.idx.msk [tilespmem:v30+s8+$0x0], $0xffff;
	v30 =	vadd.s32 s28, v4;
	[tilespmem:s26+$0xE0] =	vst v28  }
0x7d: {  	[tilespmem:s25+$0xFFFFFF10] =	vst v24;
	v24 =	vadd.s32 s24, v4;
	v28 =	vld.idx.msk [tilespmem:v19+s8+$0x0], $0xffff  }
0x7e: {  	v31 =	vadd.s32 s30, v4;
	s0 =	sadd.s32 $0x2, s2;
	v23 =	vld.idx.msk [tilespmem:v23+s8+$0x0], $0xffff;
	[tilespmem:s26+$0x50] =	vst v20  }
0x7f: {  	v32 =	vadd.s32 s0, v8;
	[tilespmem:s26+$0xFFFFFF50] =	vst v26;
	v33 =	vld.idx.msk [tilespmem:v22+s8+$0x0], $0xffff  }
0x80: {  	v34 =	vadd.s32 s6, v16;
	[tilespmem:s25+$0xA0] =	vst v18;
	v19 =	vld.idx.msk [tilespmem:v27+s8+$0x0], $0xffff  }
0x81: {  	[tilespmem:s25+$0xFFFFFFA0] =	vst v21;
	v21 =	vld.idx.msk [tilespmem:v30+s8+$0x0], $0xffff;
	v30 =	vadd.s32 s22, v5;
	s22 =	smov.u32 s24;
	s24 =	smov.u32 s9  }
.Ltmp2:
0x82: {  	v27 =	vadd.s32 s21, v5;
	s21 =	smov.u32 s30;
	s30 =	smov.u32 s0;
	v22 =	vld.idx.msk [tilespmem:v24+s8+$0x0], $0xffff;
	[tilespmem:s25+$0x20] =	vst v29;
	(pc) =	sbr.rel @p1 .LBB2_8-.Ltmp2, $4  }
0x83: {  	v26 =	vadd.s32 s28, v1;
	v20 =	vld.idx.msk [tilespmem:v31+s8+$0x0], $0xffff;
	[tilespmem:s26+$0xF0] =	vst v28  }
0x84: {  	v29 =	vadd.s32 s22, v1;
	v18 =	vld.idx.msk [tilespmem:v32+s8+$0x0], $0xffff;
	[tilespmem:s25+$0xFFFFFF20] =	vst v23  }
0x85: {  	v28 =	vadd.s32 s21, v1;
	v23 =	vld.idx.msk [tilespmem:v34+s8+$0x0], $0xffff;
	[tilespmem:s26+$0xFFFFFFE0] =	vst v25  }
0x86: {  	s2 =	sadd.s32 $0x4, s2;
	s0 =	sadd.s32 $0x3, s4;
	v25 =	vadd.s32 s23, v9;
	s23 =	smov.u32 s6;
	v24 =	vld.idx.msk [tilespmem:v30+s8+$0x0], $0xffff;
	[tilespmem:s26+$0x60] =	vst v33  }
0x87: {  	_ =	sdelay $0x2  }
0x88: {  	v8 =	vadd.s32 s0, v8;
	[tilespmem:s25+$0xB0] =	vst v21  }
0x89: {  	v21 =	vld.idx.msk [tilespmem:v27+s8+$0x0], $0xffff;
	[tilespmem:s25+$0xFFFFFFB0] =	vst v22  }
0x8a: {  	[tilespmem:s26+$0xFFFFFF60] =	vst v19;
	v22 =	vld.idx.msk [tilespmem:v26+s8+$0x0], $0xffff  }
0x8b: {  	v12 =	vadd.s32 s31, v12;
	s2 =	sadd.s32 $0x200, s25;
	[tilespmem:s25+$0x30] =	vst v20;
	v20 =	vld.idx.msk [tilespmem:v29+s8+$0x0], $0xffff  }
0x8c: {  	[tilespmem:s2+$0xFFFFFF80] =	vst v17;
	v19 =	vld.idx.msk [tilespmem:v28+s8+$0x0], $0xffff  }
0x8d: {  	[tilespmem:s25+$0xFFFFFF30] =	vst v23;
	v23 =	vadd.s32 s28, v2;
	v8 =	vld.idx.msk [tilespmem:v8+s8+$0x0], $0xffff  }
0x8e: {  	[tilespmem:s26+$0x70] =	vst v21;
	v21 =	vadd.s32 s0, v7  }
0x8f: {  	[tilespmem:s25+$0xC0] =	vst v22;
	v22 =	vadd.s32 s24, v7  }
0x90: {  	v12 =	vld.idx.msk [tilespmem:v12+s8+$0x0], $0xffff;
	[tilespmem:s25+$0xFFFFFFC0] =	vst v20;
	v7 =	vadd.s32 s30, v7  }
0x91: {  	v13 =	vadd.s32 s31, v13;
	v20 =	vld.idx.msk [tilespmem:v25+s8+$0x0], $0xffff;
	[tilespmem:s25+$0x40] =	vst v19  }
0x92: {  	v19 =	vadd.s32 s23, v15;
	v23 =	vld.idx.msk [tilespmem:v23+s8+$0x0], $0xffff;
	[tilespmem:s2+$0x80] =	vst v8  }
0x93: {  	[tilespmem:s2+$0x0] =	vst v18;
	v8 =	vadd.s32 s22, v2;
	v17 =	vld.idx.msk [tilespmem:v21+s8+$0x0], $0xffff  }
0x94: {  	v18 =	vadd.s32 s0, v6;
	[tilespmem:s26+$0xFFFFFFF0] =	vst v24;
	v21 =	vld.idx.msk [tilespmem:v22+s8+$0x0], $0xffff  }
0x95: {  	[tilespmem:s2+$0xFFFFFF00] =	vst v12;
	v12 =	vadd.s32 s24, v6;
	v7 =	vld.idx.msk [tilespmem:v7+s8+$0x0], $0xffff  }
0x96: {  	v6 =	vadd.s32 s30, v6;
	[tilespmem:s26+$0xFFFFFF70] =	vst v20;
	v13 =	vld.idx.msk [tilespmem:v13+s8+$0x0], $0xffff  }
0x97: {  	v14 =	vadd.s32 s31, v14;
	v19 =	vld.idx.msk [tilespmem:v19+s8+$0x0], $0xffff;
	[tilespmem:s25+$0xD0] =	vst v23  }
0x98: {  	v20 =	vadd.s32 s28, v3;
	v8 =	vld.idx.msk [tilespmem:v8+s8+$0x0], $0xffff;
	[tilespmem:s2+$0x90] =	vst v17  }
0x99: {  	v17 =	vadd.s32 s21, v2;
	[tilespmem:s2+$0xFFFFFF90] =	vst v21;
	v18 =	vld.idx.msk [tilespmem:v18+s8+$0x0], $0xffff  }
0x9a: {  	[tilespmem:s2+$0x10] =	vst v7;
	v7 =	vadd.s32 s0, v4;
	v12 =	vld.idx.msk [tilespmem:v12+s8+$0x0], $0xffff  }
0x9b: {  	[tilespmem:s2+$0xFFFFFF10] =	vst v13;
	v13 =	vadd.s32 s24, v4;
	v6 =	vld.idx.msk [tilespmem:v6+s8+$0x0], $0xffff  }
0x9c: {  	v4 =	vadd.s32 s30, v4;
	[tilespmem:s25+$0xFFFFFF40] =	vst v19;
	v14 =	vld.idx.msk [tilespmem:v14+s8+$0x0], $0xffff  }
0x9d: {  	v19 =	vld.idx.msk [tilespmem:v20+s8+$0x0], $0xffff;
	[tilespmem:s25+$0xFFFFFFD0] =	vst v8;
	v8 =	vadd.s32 s31, v16  }
0x9e: {  	v16 =	vld.idx.msk [tilespmem:v17+s8+$0x0], $0xffff;
	v17 =	vadd.s32 s23, v11;
	[tilespmem:s2+$0xA0] =	vst v18  }
0x9f: {  	v18 =	vadd.s32 s28, v5;
	[tilespmem:s2+$0xFFFFFFA0] =	vst v12;
	v7 =	vld.idx.msk [tilespmem:v7+s8+$0x0], $0xffff  }
0xa0: {  	[tilespmem:s2+$0x20] =	vst v6;
	v6 =	vadd.s32 s0, v1;
	v12 =	vld.idx.msk [tilespmem:v13+s8+$0x0], $0xffff  }
0xa1: {  	[tilespmem:s2+$0xFFFFFF20] =	vst v14;
	v4 =	vld.idx.msk [tilespmem:v4+s8+$0x0], $0xffff;
	v13 =	vadd.s32 s24, v1  }
0xa2: {  	[tilespmem:s25+$0xE0] =	vst v19;
	v1 =	vadd.s32 s30, v1;
	v8 =	vld.idx.msk [tilespmem:v8+s8+$0x0], $0xffff  }
0xa3: {  	v15 =	vadd.s32 s31, v15;
	v14 =	vld.idx.msk [tilespmem:v17+s8+$0x0], $0xffff;
	[tilespmem:s25+$0x50] =	vst v16  }
0xa4: {  	v16 =	vadd.s32 s22, v3;
	v17 =	vld.idx.msk [tilespmem:v18+s8+$0x0], $0xffff;
	[tilespmem:s2+$0xB0] =	vst v7  }
0xa5: {  	v7 =	vadd.s32 s21, v3;
	[tilespmem:s2+$0xFFFFFFB0] =	vst v12;
	v6 =	vld.idx.msk [tilespmem:v6+s8+$0x0], $0xffff  }
0xa6: {  	[tilespmem:s2+$0x30] =	vst v4;
	v4 =	vadd.s32 s0, v2;
	v12 =	vld.idx.msk [tilespmem:v13+s8+$0x0], $0xffff  }
0xa7: {  	v1 =	vld.idx.msk [tilespmem:v1+s8+$0x0], $0xffff;
	[tilespmem:s2+$0xFFFFFF30] =	vst v8;
	v8 =	vadd.s32 s24, v2  }
0xa8: {  	v2 =	vadd.s32 s30, v2;
	[tilespmem:s25+$0xFFFFFF50] =	vst v14;
	v13 =	vld.idx.msk [tilespmem:v15+s8+$0x0], $0xffff  }
0xa9: {  	v11 =	vadd.s32 s31, v11;
	v14 =	vld.idx.msk [tilespmem:v16+s8+$0x0], $0xffff;
	[tilespmem:s25+$0xF0] =	vst v17  }
0xaa: {  	v15 =	vadd.s32 s23, v10;
	v7 =	vld.idx.msk [tilespmem:v7+s8+$0x0], $0xffff;
	[tilespmem:s2+$0xC0] =	vst v6  }
0xab: {  	v6 =	vadd.s32 s22, v5;
	[tilespmem:s2+$0xFFFFFFC0] =	vst v12;
	v4 =	vld.idx.msk [tilespmem:v4+s8+$0x0], $0xffff  }
0xac: {  	[tilespmem:s2+$0x40] =	vst v1;
	v1 =	vadd.s32 s0, v3;
	v8 =	vld.idx.msk [tilespmem:v8+s8+$0x0], $0xffff  }
0xad: {  	v12 =	vadd.s32 s24, v3;
	v2 =	vld.idx.msk [tilespmem:v2+s8+$0x0], $0xffff;
	[tilespmem:s2+$0xFFFFFF40] =	vst v13  }
0xae: {  	v3 =	vadd.s32 s30, v3;
	[tilespmem:s25+$0xFFFFFFE0] =	vst v14;
	v11 =	vld.idx.msk [tilespmem:v11+s8+$0x0], $0xffff  }
0xaf: {  	v13 =	vld.idx.msk [tilespmem:v15+s8+$0x0], $0xffff;
	[tilespmem:s25+$0x60] =	vst v7;
	v7 =	vadd.s32 s31, v10  }
0xb0: {  	v10 =	vadd.s32 s21, v5;
	v6 =	vld.idx.msk [tilespmem:v6+s8+$0x0], $0xffff;
	[tilespmem:s2+$0xD0] =	vst v4  }
0xb1: {  	v4 =	vadd.s32 s23, v9;
	[tilespmem:s2+$0xFFFFFFD0] =	vst v8;
	v1 =	vld.idx.msk [tilespmem:v1+s8+$0x0], $0xffff  }
0xb2: {  	v8 =	vadd.s32 s0, v5;
	[tilespmem:s2+$0x50] =	vst v2;
	v12 =	vld.idx.msk [tilespmem:v12+s8+$0x0], $0xffff  }
0xb3: {  	v2 =	vld.idx.msk [tilespmem:v3+s8+$0x0], $0xffff;
	v3 =	vadd.s32 s24, v5;
	[tilespmem:s2+$0xFFFFFF50] =	vst v11  }
0xb4: {  	[tilespmem:s25+$0xFFFFFF60] =	vst v13;
	v5 =	vadd.s32 s30, v5;
	v7 =	vld.idx.msk [tilespmem:v7+s8+$0x0], $0xffff  }
0xb5: {  	v10 =	vld.idx.msk [tilespmem:v10+s8+$0x0], $0xffff;
	[tilespmem:s25+$0xFFFFFFF0] =	vst v6;
	v6 =	vadd.s32 s31, v9  }
0xb6: {  	v4 =	vld.idx.msk [tilespmem:v4+s8+$0x0], $0xffff;
	[tilespmem:s2+$0xE0] =	vst v1  }
0xb7: {  	[tilespmem:s2+$0xFFFFFFE0] =	vst v12;
	v1 =	vld.idx.msk [tilespmem:v8+s8+$0x0], $0xffff  }
0xb8: {  	[tilespmem:s2+$0x60] =	vst v2;
	v3 =	vld.idx.msk [tilespmem:v3+s8+$0x0], $0xffff  }
0xb9: {  	v2 =	vld.idx.msk [tilespmem:v5+s8+$0x0], $0xffff;
	[tilespmem:s2+$0xFFFFFF60] =	vst v7  }
0xba: {  	[tilespmem:s25+$0x70] =	vst v10;
	v5 =	vld.idx.msk [tilespmem:v6+s8+$0x0], $0xffff  }
0xbb: {  	[tilespmem:s25+$0xFFFFFF70] =	vst v4  }
0xbc: {  	s25 =	sshll.u32 s20, $0x15;
	[tilespmem:s2+$0xF0] =	vst v1  }
0xbd: {  	s0 =	sadd.s32 s19, s25;
	[tilespmem:s2+$0xFFFFFFF0] =	vst v3  }
0xbe: {  	[tilespmem:s2+$0x70] =	vst v2;
	s0 =	sshrl.u32 s0, $0x3  }
0xbf: {  	s0 =	sadd.s32 s1, s0;
	[tilespmem:s2+$0xFFFFFF70] =	vst v5  }
0xc0: {  	[hbm4b:s0+s11] =	stream.strided.scatter [tilespmem:s13], [sflag:$0x2], $0x2000, s12, s11, $0x38;
	[tilespmem:$0xB180] =	vst v63  }
0xc1: {  	s0 =	simm.s32 @!p0 $0x3  }
0xc2: {  	s21 =	sor.u32 $0x1, s29;
	_ =	swait.ge @!p0 [sflag:s0], $0x2000  }
0xc3: {  	s26 =	sshll.u32 s21, $0x9;
	[sflag:s0] =	ssyncset.done @!p0 $0x0  }
0xc4: {  	s6 =	sand.u32 $0x3FFFFE00, s26;
	[sflag:s0] =	ssyncadd.s32 @!p0 $0xFFFFE000  }
0xc5: {  	v1 =	vld.idx.msk [tilespmem:v0+s6+$0x0 ss:$0x1], $0xffff;
	_ =	sdelay $0x4  }
0xc6: {  	v8 =	vmul.u32 $0x41, v1  }
0xc7: {  	s4 =	simm.s32 $0x3;
	v1 =	vld.idx.msk [tilespmem:v0+s6+$0x10 ss:$0x1], $0xffff  }
0xc8: {  	s0 =	simm.s32 $0x1;
	v3 =	vadd.s32 s4, v8  }
0xc9: {  	s9 =	simm.s32 $0x2;
	v2 =	vld.idx.msk [tilespmem:v0+s6+$0x20 ss:$0x1], $0xffff;
	v5 =	vadd.s32 s0, v8  }
0xca: {  	v4 =	vld.idx.msk [tilespmem:v0+s6+$0x30 ss:$0x1], $0xffff;
	v6 =	vadd.s32 s9, v8  }
0xcb: {  	v9 =	vld.idx.msk [tilespmem:v0+s6+$0x40 ss:$0x1], $0xffff  }
0xcc: {  	v10 =	vld.idx.msk [tilespmem:v0+s6+$0x50 ss:$0x1], $0xffff;
	v7 =	vmul.u32 $0x41, v1  }
0xcd: {  	v1 =	vld.idx.msk [tilespmem:v3+s8+$0x0], $0xffff  }
0xce: {  	v3 =	vld.idx.msk [tilespmem:v5+s8+$0x0], $0xffff;
	v5 =	vadd.s32 s4, v7  }
0xcf: {  	v12 =	vld.idx.msk [tilespmem:v6+s8+$0x0], $0xffff;
	v13 =	vadd.s32 s0, v7  }
0xd0: {  	v11 =	vld.idx.msk [tilespmem:v0+s6+$0x60 ss:$0x1], $0xffff;
	v15 =	vadd.s32 s9, v7  }
0xd1: {  	s28 =	simm.s32 $0x9280;
	v16 =	vld.idx.msk [tilespmem:v8+s8+$0x0], $0xffff  }
0xd2: {  	v14 =	vld.idx.msk [tilespmem:v0+s6+$0x70 ss:$0x1], $0xffff;
	v6 =	vmul.u32 $0x41, v2;
	[tilespmem:s28+$0x80] =	vst v1  }
0xd3: {  	[tilespmem:s28+$0xFFFFFF80] =	vst v3;
	v1 =	vld.idx.msk [tilespmem:v5+s8+$0x0], $0xffff  }
0xd4: {  	[tilespmem:s28+$0x0] =	vst v12;
	v3 =	vadd.s32 s4, v6;
	v2 =	vld.idx.msk [tilespmem:v13+s8+$0x0], $0xffff  }
0xd5: {  	v12 =	vadd.s32 s0, v6;
	v5 =	vld.idx.msk [tilespmem:v15+s8+$0x0], $0xffff  }
0xd6: {  	[tilespmem:s28+$0xFFFFFF00] =	vst v16;
	v13 =	vadd.s32 s9, v6  }
0xd7: {  	v15 =	vld.idx.msk [tilespmem:v7+s8+$0x0], $0xffff  }
0xd8: {  	v4 =	vmul.u32 $0x41, v4;
	[tilespmem:s28+$0x90] =	vst v1  }
0xd9: {  	[tilespmem:s28+$0xFFFFFF90] =	vst v2;
	v2 =	vld.idx.msk [tilespmem:v3+s8+$0x0], $0xffff  }
0xda: {  	[tilespmem:s28+$0x10] =	vst v5;
	v5 =	vadd.s32 s4, v4;
	v3 =	vld.idx.msk [tilespmem:v12+s8+$0x0], $0xffff  }
0xdb: {  	v12 =	vld.idx.msk [tilespmem:v13+s8+$0x0], $0xffff;
	v13 =	vadd.s32 s0, v4  }
0xdc: {  	s23 =	simm.s32 $0x5;
	[tilespmem:s28+$0xFFFFFF10] =	vst v15;
	v15 =	vadd.s32 s9, v4  }
0xdd: {  	v16 =	vadd.s32 s23, v8;
	v17 =	vld.idx.msk [tilespmem:v6+s8+$0x0], $0xffff  }
0xde: {  	s22 =	simm.s32 $0x6;
	v1 =	vmul.u32 $0x41, v9;
	[tilespmem:s28+$0xA0] =	vst v2  }
0xdf: {  	v9 =	vadd.s32 s22, v8;
	[tilespmem:s28+$0xFFFFFFA0] =	vst v3;
	v3 =	vld.idx.msk [tilespmem:v5+s8+$0x0], $0xffff  }
0xe0: {  	[tilespmem:s28+$0x20] =	vst v12;
	v5 =	vld.idx.msk [tilespmem:v13+s8+$0x0], $0xffff;
	v13 =	vadd.s32 s4, v1  }
0xe1: {  	v18 =	vadd.s32 s0, v1;
	v15 =	vld.idx.msk [tilespmem:v15+s8+$0x0], $0xffff  }
0xe2: {  	s29 =	simm.s32 $0x7;
	v16 =	vld.idx.msk [tilespmem:v16+s8+$0x0], $0xffff;
	[tilespmem:s28+$0xFFFFFF20] =	vst v17;
	v17 =	vadd.s32 s9, v1  }
0xe3: {  	v20 =	vadd.s32 s29, v8;
	v19 =	vld.idx.msk [tilespmem:v4+s8+$0x0], $0xffff  }
0xe4: {  	s24 =	simm.s32 $0x0;
	v9 =	vld.idx.msk [tilespmem:v9+s8+$0x0], $0xffff;
	v12 =	vadd.s32 $0x4, v8;
	v2 =	vmul.u32 $0x41, v10;
	[tilespmem:s28+$0xB0] =	vst v3  }
0xe5: {  	[tilespmem:s28+$0xFFFFFFB0] =	vst v5;
	v5 =	vadd.s32 s24, v12;
	v3 =	vld.idx.msk [tilespmem:v13+s8+$0x0], $0xffff  }
0xe6: {  	[tilespmem:s28+$0x30] =	vst v15;
	v10 =	vld.idx.msk [tilespmem:v18+s8+$0x0], $0xffff;
	v13 =	vadd.s32 s4, v2  }
0xe7: {  	v15 =	vld.idx.msk [tilespmem:v17+s8+$0x0], $0xffff;
	v17 =	vadd.s32 s0, v2  }
0xe8: {  	s25 =	simm.s32 $0x9;
	[tilespmem:s28+$0xFFFFFF30] =	vst v19;
	v19 =	vadd.s32 s9, v2;
	v18 =	vld.idx.msk [tilespmem:v20+s8+$0x0], $0xffff  }
0xe9: {  	v20 =	vadd.s32 s25, v8;
	v21 =	vld.idx.msk [tilespmem:v1+s8+$0x0], $0xffff  }
0xea: {  	v23 =	vadd.s32 s22, v7;
	v22 =	vld.idx.msk [tilespmem:v5+s8+$0x0], $0xffff;
	[tilespmem:s28+$0xC0] =	vst v3  }
0xeb: {  	v5 =	vadd.s32 s29, v7;
	v3 =	vmul.u32 $0x41, v11;
	[tilespmem:s28+$0xFFFFFFC0] =	vst v10;
	v10 =	vld.idx.msk [tilespmem:v13+s8+$0x0], $0xffff  }
0xec: {  	s26 =	simm.s32 $0x9480;
	v11 =	vadd.s32 s23, v7;
	[tilespmem:s28+$0x40] =	vst v15;
	v24 =	vld.idx.msk [tilespmem:v17+s8+$0x0], $0xffff  }
0xed: {  	[tilespmem:s26+$0x0] =	vst v9;
	v13 =	vadd.s32 $0x4, v7;
	v15 =	vld.idx.msk [tilespmem:v19+s8+$0x0], $0xffff;
	v19 =	vadd.s32 s4, v3  }
0xee: {  	[tilespmem:s26+$0x80] =	vst v18;
	v17 =	vld.idx.msk [tilespmem:v20+s8+$0x0], $0xffff;
	v18 =	vadd.s32 s24, v13  }
0xef: {  	[tilespmem:s26+$0xFFFFFF80] =	vst v16;
	v20 =	vld.idx.msk [tilespmem:v23+s8+$0x0], $0xffff  }
0xf0: {  	v16 =	vld.idx.msk [tilespmem:v5+s8+$0x0], $0xffff;
	[tilespmem:s26+$0xFFFFFF00] =	vst v22;
	v22 =	vadd.s32 s22, v6  }
0xf1: {  	v23 =	vadd.s32 s29, v6;
	v11 =	vld.idx.msk [tilespmem:v11+s8+$0x0], $0xffff;
	[tilespmem:s28+$0xD0] =	vst v10  }
0xf2: {  	[tilespmem:s28+$0xFFFFFF40] =	vst v21;
	v5 =	vmul.u32 $0x41, v14;
	v10 =	vadd.s32 s23, v6;
	v19 =	vld.idx.msk [tilespmem:v19+s8+$0x0], $0xffff  }
0xf3: {  	v9 =	vadd.s32 s0, v3;
	[tilespmem:s28+$0xFFFFFFD0] =	vst v24;
	v18 =	vld.idx.msk [tilespmem:v18+s8+$0x0], $0xffff  }
0xf4: {  	v21 =	vld.idx.msk [tilespmem:v2+s8+$0x0], $0xffff;
	v14 =	vadd.s32 $0x4, v6;
	v24 =	vadd.s32 s4, v5;
	[tilespmem:s26+$0x10] =	vst v20  }
0xf5: {  	[tilespmem:s26+$0x90] =	vst v16;
	v16 =	vadd.s32 s24, v14;
	v20 =	vld.idx.msk [tilespmem:v22+s8+$0x0], $0xffff  }
0xf6: {  	[tilespmem:s26+$0xFFFFFF90] =	vst v11;
	v11 =	vld.idx.msk [tilespmem:v23+s8+$0x0], $0xffff;
	v23 =	vadd.s32 s9, v3  }
0xf7: {  	v22 =	vadd.s32 s29, v4;
	v10 =	vld.idx.msk [tilespmem:v10+s8+$0x0], $0xffff;
	[tilespmem:s28+$0xE0] =	vst v19  }
0xf8: {  	s30 =	simm.s32 $0xA;
	v9 =	vld.idx.msk [tilespmem:v9+s8+$0x0], $0xffff;
	[tilespmem:s26+$0xFFFFFF10] =	vst v18;
	v18 =	vadd.s32 s23, v4  }
0xf9: {  	v27 =	vadd.s32 s30, v8;
	[tilespmem:s28+$0x50] =	vst v15;
	v24 =	vld.idx.msk [tilespmem:v24+s8+$0x0], $0xffff  }
0xfa: {  	v26 =	vadd.s32 s22, v4;
	[tilespmem:s28+$0xFFFFFF50] =	vst v21;
	v25 =	vld.idx.msk [tilespmem:v16+s8+$0x0], $0xffff  }
0xfb: {  	v30 =	vld.idx.msk [tilespmem:v23+s8+$0x0], $0xffff;
	[tilespmem:s26+$0xA0] =	vst v11  }
0xfc: {  	v31 =	vadd.s32 s0, v5;
	v16 =	vadd.s32 $0x4, v4;
	[tilespmem:s26+$0xFFFFFFA0] =	vst v10;
	v21 =	vld.idx.msk [tilespmem:v22+s8+$0x0], $0xffff  }
0xfd: {  	v23 =	vadd.s32 s24, v16;
	v22 =	vld.idx.msk [tilespmem:v18+s8+$0x0], $0xffff  }
0xfe: {  	[tilespmem:s26+$0x20] =	vst v20;
	v18 =	vld.idx.msk [tilespmem:v27+s8+$0x0], $0xffff;
	v27 =	vadd.s32 s9, v5  }
0xff: {  	[tilespmem:s28+$0xFFFFFFE0] =	vst v9;
	v20 =	vld.idx.msk [tilespmem:v26+s8+$0x0], $0xffff;
	v26 =	vadd.s32 s29, v1  }
0x100: {  	v29 =	vadd.s32 s23, v1;
	v19 =	vld.idx.msk [tilespmem:v3+s8+$0x0], $0xffff;
	[tilespmem:s28+$0xF0] =	vst v24  }
0x101: {  	s31 =	simm.s32 $0x4;
	v28 =	vadd.s32 s22, v1;
	v15 =	vadd.s32 $0x4, v1;
	v24 =	vld.idx.msk [tilespmem:v31+s8+$0x0], $0xffff;
	[tilespmem:s26+$0xFFFFFF20] =	vst v25  }
0x102: {  	s2 =	simm.s32 $0xC;
	s4 =	simm.s32 $0x8;
	s0 =	simm.s32 $0xB;
	v9 =	vadd.s32 $0x4, v5;
	v11 =	vadd.s32 $0x4, v2;
	v10 =	vadd.s32 $0x4, v3;
	v25 =	vmovc v5;
	v23 =	vld.idx.msk [tilespmem:v23+s8+$0x0], $0xffff;
	[tilespmem:s28+$0x60] =	vst v30  }
.LBB2_10:
0x103: {  	p0 =	slt.u32 s2, $0x3C;
	v30 =	vadd.s32 s0, v8;
	[tilespmem:s26+$0xB0] =	vst v21;
	v21 =	vld.idx.msk [tilespmem:v27+s8+$0x0], $0xffff;
	s6 =	smov.u32 s31;
	s31 =	smov.u32 s4  }
0x104: {  	s4 =	smov.u32 s2;
	[tilespmem:s26+$0xFFFFFFB0] =	vst v22;
	v22 =	vld.idx.msk [tilespmem:v26+s8+$0x0], $0xffff;
	v26 =	vadd.s32 s24, v15  }
0x105: {  	v27 =	vadd.s32 s6, v12;
	v29 =	vld.idx.msk [tilespmem:v29+s8+$0x0], $0xffff;
	[tilespmem:s26+$0x30] =	vst v20  }
0x106: {  	v20 =	vld.idx.msk [tilespmem:v28+s8+$0x0], $0xffff;
	v28 =	vadd.s32 s29, v2;
	[tilespmem:s28+$0xFFFFFF60] =	vst v19  }
0x107: {  	v19 =	vadd.s32 s23, v2;
	[tilespmem:s26+$0xFFFFFF30] =	vst v23;
	v23 =	vld.idx.msk [tilespmem:v25+s8+$0x0], $0xffff  }
0x108: {  	s9 =	sadd.s32 $0x1, s2;
	v25 =	vld.idx.msk [tilespmem:v30+s8+$0x0], $0xffff;
	v30 =	vadd.s32 s22, v2;
	[tilespmem:s28+$0xFFFFFFF0] =	vst v24  }
0x109: {  	v24 =	vadd.s32 s9, v8;
	v26 =	vld.idx.msk [tilespmem:v26+s8+$0x0], $0xffff;
	[tilespmem:s28+$0x70] =	vst v21  }
0x10a: {  	v21 =	vld.idx.msk [tilespmem:v27+s8+$0x0], $0xffff;
	v27 =	vadd.s32 s0, v7;
	[tilespmem:s26+$0xC0] =	vst v22  }
0x10b: {  	v22 =	vadd.s32 s25, v7;
	[tilespmem:s26+$0xFFFFFFC0] =	vst v29;
	v28 =	vld.idx.msk [tilespmem:v28+s8+$0x0], $0xffff  }
0x10c: {  	v29 =	vadd.s32 s30, v7;
	v19 =	vld.idx.msk [tilespmem:v19+s8+$0x0], $0xffff;
	[tilespmem:s26+$0x40] =	vst v20  }
0x10d: {  	v20 =	vld.idx.msk [tilespmem:v30+s8+$0x0], $0xffff;
	v30 =	vadd.s32 s29, v3;
	[tilespmem:s28+$0xFFFFFF70] =	vst v23;
	s28 =	smov.u32 s26;
	s26 =	sadd.s32 $0x200, s26  }
0x10e: {  	v23 =	vld.idx.msk [tilespmem:v24+s8+$0x0], $0xffff;
	[tilespmem:s26+$0x80] =	vst v25;
	v24 =	vadd.s32 s6, v13  }
0x10f: {  	[tilespmem:s26+$0xFFFFFF80] =	vst v17;
	v25 =	vld.idx.msk [tilespmem:v27+s8+$0x0], $0xffff;
	v17 =	vadd.s32 s24, v11  }
0x110: {  	v22 =	vld.idx.msk [tilespmem:v22+s8+$0x0], $0xffff;
	[tilespmem:s26+$0x0] =	vst v18;
	v18 =	vadd.s32 s23, v3  }
0x111: {  	v27 =	vld.idx.msk [tilespmem:v29+s8+$0x0], $0xffff;
	v29 =	vadd.s32 s0, v6;
	[tilespmem:s28+$0xD0] =	vst v28  }
0x112: {  	[tilespmem:s26+$0xFFFFFF00] =	vst v21;
	v21 =	vadd.s32 s25, v6;
	v28 =	vld.idx.msk [tilespmem:v30+s8+$0x0], $0xffff  }
0x113: {  	v30 =	vadd.s32 s30, v6;
	v24 =	vld.idx.msk [tilespmem:v24+s8+$0x0], $0xffff;
	[tilespmem:s28+$0xFFFFFF40] =	vst v26  }
0x114: {  	v26 =	vld.idx.msk [tilespmem:v17+s8+$0x0], $0xffff;
	[tilespmem:s28+$0xFFFFFFD0] =	vst v19;
	v19 =	vadd.s32 s29, v5;
	v17 =	vmov v23;
	s29 =	smov.u32 s0  }
0x115: {  	v23 =	vadd.s32 s6, v14;
	[tilespmem:s26+$0x90] =	vst v25;
	v25 =	vld.idx.msk [tilespmem:v18+s8+$0x0], $0xffff  }
0x116: {  	[tilespmem:s26+$0xFFFFFF90] =	vst v22;
	v18 =	vld.idx.msk [tilespmem:v29+s8+$0x0], $0xffff;
	v22 =	vadd.s32 s22, v3  }
0x117: {  	v21 =	vld.idx.msk [tilespmem:v21+s8+$0x0], $0xffff;
	[tilespmem:s26+$0x10] =	vst v27;
	v27 =	vadd.s32 s24, v10  }
0x118: {  	v29 =	vld.idx.msk [tilespmem:v30+s8+$0x0], $0xffff;
	v30 =	vadd.s32 s29, v4;
	[tilespmem:s28+$0xE0] =	vst v28  }
0x119: {  	[tilespmem:s26+$0xFFFFFF10] =	vst v24;
	v24 =	vadd.s32 s25, v4;
	v28 =	vld.idx.msk [tilespmem:v19+s8+$0x0], $0xffff  }
0x11a: {  	v31 =	vadd.s32 s30, v4;
	s0 =	sadd.s32 $0x2, s2;
	v23 =	vld.idx.msk [tilespmem:v23+s8+$0x0], $0xffff;
	[tilespmem:s28+$0x50] =	vst v20  }
0x11b: {  	v32 =	vadd.s32 s0, v8;
	[tilespmem:s28+$0xFFFFFF50] =	vst v26;
	v33 =	vld.idx.msk [tilespmem:v22+s8+$0x0], $0xffff  }
0x11c: {  	v34 =	vadd.s32 s6, v16;
	[tilespmem:s26+$0xA0] =	vst v18;
	v19 =	vld.idx.msk [tilespmem:v27+s8+$0x0], $0xffff  }
0x11d: {  	[tilespmem:s26+$0xFFFFFFA0] =	vst v21;
	v21 =	vld.idx.msk [tilespmem:v30+s8+$0x0], $0xffff;
	v30 =	vadd.s32 s23, v5;
	s23 =	smov.u32 s25;
	s25 =	smov.u32 s9  }
.Ltmp3:
0x11e: {  	v27 =	vadd.s32 s22, v5;
	s22 =	smov.u32 s30;
	s30 =	smov.u32 s0;
	v22 =	vld.idx.msk [tilespmem:v24+s8+$0x0], $0xffff;
	[tilespmem:s26+$0x20] =	vst v29;
	(pc) =	sbr.rel @p0 .LBB2_10-.Ltmp3, $4  }
0x11f: {  	v26 =	vadd.s32 s29, v1;
	v20 =	vld.idx.msk [tilespmem:v31+s8+$0x0], $0xffff;
	[tilespmem:s28+$0xF0] =	vst v28  }
0x120: {  	v29 =	vadd.s32 s23, v1;
	v18 =	vld.idx.msk [tilespmem:v32+s8+$0x0], $0xffff;
	[tilespmem:s26+$0xFFFFFF20] =	vst v23  }
0x121: {  	v28 =	vadd.s32 s22, v1;
	v23 =	vld.idx.msk [tilespmem:v34+s8+$0x0], $0xffff;
	[tilespmem:s28+$0xFFFFFFE0] =	vst v25  }
0x122: {  	s2 =	sadd.s32 $0x4, s2;
	s0 =	sadd.s32 $0x3, s4;
	v25 =	vadd.s32 s24, v9;
	s24 =	smov.u32 s6;
	v24 =	vld.idx.msk [tilespmem:v30+s8+$0x0], $0xffff;
	[tilespmem:s28+$0x60] =	vst v33  }
0x123: {  	_ = 	snop  }
0x124: {  	[tilespmem:s26+$0xB0] =	vst v21  }
0x125: {  	[tilespmem:s26+$0xFFFFFFB0] =	vst v22  }
0x126: {  	v8 =	vadd.s32 s0, v8;
	[tilespmem:s28+$0xFFFFFF60] =	vst v19  }
0x127: {  	v55 =	vld.idx.msk [tilespmem:v27+s8+$0x0], $0xffff;
	v12 =	vadd.s32 s31, v12;
	s2 =	sadd.s32 $0x200, s26;
	[tilespmem:s26+$0x30] =	vst v20  }
0x128: {  	v56 =	vld.idx.msk [tilespmem:v26+s8+$0x0], $0xffff;
	[tilespmem:s2+$0xFFFFFF80] =	vst v17  }
0x129: {  	v61 =	vadd.s32 s25, v7;
	v57 =	vld.idx.msk [tilespmem:v29+s8+$0x0], $0xffff;
	[tilespmem:s2+$0x0] =	vst v18  }
0x12a: {  	v62 =	vadd.s32 s30, v7;
	v63 =	vld.idx.msk [tilespmem:v25+s8+$0x0], $0xffff;
	[tilespmem:s26+$0xFFFFFF30] =	vst v23  }
0x12b: {  	v59 =	vadd.s32 s29, v2;
	[tilespmem:s28+$0xFFFFFFF0] =	vst v24;
	v8 =	vld.idx.msk [tilespmem:v8+s8+$0x0], $0xffff  }
0x12c: {  	v60 =	vadd.s32 s0, v7;
	[tilespmem:s28+$0x70] =	vst v55;
	v12 =	vld.idx.msk [tilespmem:v12+s8+$0x0], $0xffff  }
0x12d: {  	v13 =	vadd.s32 s31, v13;
	v58 =	vld.idx.msk [tilespmem:v28+s8+$0x0], $0xffff;
	[tilespmem:s26+$0xC0] =	vst v56  }
0x12e: {  	v32 =	vadd.s32 s22, v2;
	v27 =	vld.idx.msk [tilespmem:v61+s8+$0x0], $0xffff;
	[tilespmem:s26+$0xFFFFFFC0] =	vst v57  }
0x12f: {  	v24 =	vadd.s32 s24, v15;
	v7 =	vld.idx.msk [tilespmem:v62+s8+$0x0], $0xffff;
	[tilespmem:s28+$0xFFFFFF70] =	vst v63  }
0x130: {  	v29 =	vadd.s32 s25, v6;
	v23 =	vld.idx.msk [tilespmem:v59+s8+$0x0], $0xffff;
	[tilespmem:s2+$0x80] =	vst v8  }
0x131: {  	v30 =	vadd.s32 s30, v6;
	[tilespmem:s2+$0xFFFFFF00] =	vst v12;
	v26 =	vld.idx.msk [tilespmem:v60+s8+$0x0], $0xffff  }
0x132: {  	v28 =	vadd.s32 s0, v6;
	[tilespmem:s26+$0x40] =	vst v58;
	v13 =	vld.idx.msk [tilespmem:v13+s8+$0x0], $0xffff  }
0x133: {  	v14 =	vadd.s32 s31, v14;
	v38 =	vld.idx.msk [tilespmem:v32+s8+$0x0], $0xffff;
	[tilespmem:s2+$0xFFFFFF90] =	vst v27  }
0x134: {  	v25 =	vadd.s32 s23, v2;
	v19 =	vld.idx.msk [tilespmem:v24+s8+$0x0], $0xffff;
	[tilespmem:s2+$0x10] =	vst v7  }
0x135: {  	v31 =	vadd.s32 s29, v3;
	v12 =	vld.idx.msk [tilespmem:v29+s8+$0x0], $0xffff;
	[tilespmem:s26+$0xD0] =	vst v23  }
0x136: {  	v34 =	vadd.s32 s25, v4;
	v6 =	vld.idx.msk [tilespmem:v30+s8+$0x0], $0xffff;
	[tilespmem:s2+$0x90] =	vst v26  }
0x137: {  	v35 =	vadd.s32 s30, v4;
	[tilespmem:s2+$0xFFFFFF10] =	vst v13;
	v18 =	vld.idx.msk [tilespmem:v28+s8+$0x0], $0xffff  }
0x138: {  	v33 =	vadd.s32 s0, v4;
	[tilespmem:s26+$0x50] =	vst v38;
	v14 =	vld.idx.msk [tilespmem:v14+s8+$0x0], $0xffff  }
0x139: {  	v37 =	vadd.s32 s31, v16;
	v8 =	vld.idx.msk [tilespmem:v25+s8+$0x0], $0xffff;
	[tilespmem:s26+$0xFFFFFF40] =	vst v19  }
0x13a: {  	v39 =	vadd.s32 s24, v11;
	v36 =	vld.idx.msk [tilespmem:v31+s8+$0x0], $0xffff;
	[tilespmem:s2+$0xFFFFFFA0] =	vst v12  }
0x13b: {  	v45 =	vadd.s32 s23, v3;
	[tilespmem:s2+$0x20] =	vst v6;
	v12 =	vld.idx.msk [tilespmem:v34+s8+$0x0], $0xffff  }
0x13c: {  	v42 =	vadd.s32 s25, v1;
	v4 =	vld.idx.msk [tilespmem:v35+s8+$0x0], $0xffff;
	[tilespmem:s2+$0xA0] =	vst v18  }
0x13d: {  	v41 =	vadd.s32 s0, v1;
	v1 =	vadd.s32 s30, v1;
	[tilespmem:s2+$0xFFFFFF20] =	vst v14;
	v7 =	vld.idx.msk [tilespmem:v33+s8+$0x0], $0xffff  }
0x13e: {  	[tilespmem:s26+$0xFFFFFFD0] =	vst v8;
	v8 =	vld.idx.msk [tilespmem:v37+s8+$0x0], $0xffff  }
0x13f: {  	v44 =	vadd.s32 s31, v15;
	v43 =	vld.idx.msk [tilespmem:v39+s8+$0x0], $0xffff;
	[tilespmem:s26+$0xE0] =	vst v36  }
0x140: {  	v40 =	vadd.s32 s29, v5;
	v51 =	vld.idx.msk [tilespmem:v45+s8+$0x0], $0xffff;
	[tilespmem:s2+$0xFFFFFFB0] =	vst v12  }
0x141: {  	v53 =	vadd.s32 s24, v10;
	[tilespmem:s2+$0x30] =	vst v4;
	v12 =	vld.idx.msk [tilespmem:v42+s8+$0x0], $0xffff  }
0x142: {  	v49 =	vadd.s32 s25, v2;
	v1 =	vld.idx.msk [tilespmem:v1+s8+$0x0], $0xffff;
	[tilespmem:s2+$0xB0] =	vst v7  }
0x143: {  	v48 =	vadd.s32 s0, v2;
	v2 =	vadd.s32 s30, v2;
	[tilespmem:s2+$0xFFFFFF30] =	vst v8;
	v6 =	vld.idx.msk [tilespmem:v41+s8+$0x0], $0xffff  }
0x144: {  	[tilespmem:s26+$0xFFFFFF50] =	vst v43;
	v50 =	vld.idx.msk [tilespmem:v44+s8+$0x0], $0xffff  }
0x145: {  	v52 =	vadd.s32 s31, v11;
	v46 =	vld.idx.msk [tilespmem:v40+s8+$0x0], $0xffff;
	[tilespmem:s26+$0xFFFFFFE0] =	vst v51  }
0x146: {  	v47 =	vadd.s32 s22, v3;
	v56 =	vld.idx.msk [tilespmem:v53+s8+$0x0], $0xffff;
	[tilespmem:s2+$0xFFFFFFC0] =	vst v12  }
0x147: {  	v54 =	vadd.s32 s23, v5;
	[tilespmem:s2+$0x40] =	vst v1;
	v8 =	vld.idx.msk [tilespmem:v49+s8+$0x0], $0xffff  }
0x148: {  	v55 =	vadd.s32 s25, v3;
	v2 =	vld.idx.msk [tilespmem:v2+s8+$0x0], $0xffff;
	[tilespmem:s2+$0xC0] =	vst v6  }
0x149: {  	v1 =	vadd.s32 s0, v3;
	v3 =	vadd.s32 s30, v3;
	[tilespmem:s2+$0xFFFFFF40] =	vst v50;
	v4 =	vld.idx.msk [tilespmem:v48+s8+$0x0], $0xffff  }
0x14a: {  	[tilespmem:s26+$0xF0] =	vst v46;
	v11 =	vld.idx.msk [tilespmem:v52+s8+$0x0], $0xffff  }
0x14b: {  	v57 =	vadd.s32 s31, v10;
	[tilespmem:s26+$0xFFFFFF60] =	vst v56;
	v7 =	vld.idx.msk [tilespmem:v47+s8+$0x0], $0xffff  }
0x14c: {  	v58 =	vadd.s32 s22, v5;
	v6 =	vld.idx.msk [tilespmem:v54+s8+$0x0], $0xffff;
	[tilespmem:s2+$0xFFFFFFD0] =	vst v8  }
0x14d: {  	v59 =	vadd.s32 s24, v9;
	[tilespmem:s2+$0x50] =	vst v2;
	v12 =	vld.idx.msk [tilespmem:v55+s8+$0x0], $0xffff  }
0x14e: {  	v2 =	vld.idx.msk [tilespmem:v3+s8+$0x0], $0xffff;
	v3 =	vadd.s32 s25, v5;
	[tilespmem:s2+$0xD0] =	vst v4  }
0x14f: {  	v61 =	vadd.s32 s30, v5;
	[tilespmem:s2+$0xFFFFFF50] =	vst v11;
	v1 =	vld.idx.msk [tilespmem:v1+s8+$0x0], $0xffff  }
0x150: {  	v60 =	vadd.s32 s0, v5;
	[tilespmem:s26+$0x60] =	vst v7;
	v7 =	vld.idx.msk [tilespmem:v57+s8+$0x0], $0xffff  }
0x151: {  	v62 =	vadd.s32 s31, v9;
	v10 =	vld.idx.msk [tilespmem:v58+s8+$0x0], $0xffff;
	[tilespmem:s26+$0xFFFFFFF0] =	vst v6  }
0x152: {  	v4 =	vld.idx.msk [tilespmem:v59+s8+$0x0], $0xffff;
	[tilespmem:s2+$0xFFFFFFE0] =	vst v12  }
0x153: {  	[tilespmem:s2+$0x60] =	vst v2;
	v3 =	vld.idx.msk [tilespmem:v3+s8+$0x0], $0xffff  }
0x154: {  	v2 =	vld.idx.msk [tilespmem:v61+s8+$0x0], $0xffff;
	[tilespmem:s2+$0xE0] =	vst v1  }
0x155: {  	[tilespmem:s2+$0xFFFFFF60] =	vst v7;
	v1 =	vld.idx.msk [tilespmem:v60+s8+$0x0], $0xffff  }
0x156: {  	s20 =	sadd.s32 $0x1, s20;
	[tilespmem:s26+$0x70] =	vst v10;
	v63 =	vld.idx.msk [tilespmem:v62+s8+$0x0], $0xffff  }
0x157: {  	p0 =	sne.s32 s20, $0x19;
	[tilespmem:s26+$0xFFFFFF70] =	vst v4  }
.Ltmp4:
0x158: {  	s31 =	sshll.u32 s21, $0x14;
	[tilespmem:s2+$0xFFFFFFF0] =	vst v3;
	(pc) =	sbr.rel @p0 .LBB2_7-.Ltmp4, $4  }
0x159: {  	s0 =	sadd.s32 s19, s31;
	[tilespmem:s2+$0x70] =	vst v2  }
0x15a: {  	s0 =	sshrl.u32 s0, $0x3;
	[tilespmem:s2+$0xF0] =	vst v1  }
0x15b: {  	s0 =	sadd.s32 s1, s0;
	[tilespmem:s2+$0xFFFFFF70] =	vst v63  }
0x15c: {  	[hbm4b:s0+s11] =	stream.strided.scatter [tilespmem:s14], [sflag:$0x3], $0x2000, s12, s11, $0x38;
	[tilespmem:$0xB180] =	vst v63  }
0x15d: {  	s18 =	sadd.s32 $0x1, s18  }
0x15e: {  	_ =	swait.ge [sflag:s15], $0x2000;
	p0 =	sne.s32 s18, $0x4  }
.Ltmp5:
0x15f: {  	[sflag:s15] =	ssyncset.done $0x0;
	(pc) =	sbr.rel @p0 .LBB2_6-.Ltmp5, $4  }
0x160: {  	[sflag:s15] =	ssyncadd.s32 $0xFFFFE000  }
0x161: {  	_ =	swait.ge [sflag:s16], $0x2000  }
0x162: {  	[sflag:s16] =	ssyncset.done $0x0  }
0x163: {  	[sflag:s16] =	ssyncadd.s32 $0xFFFFE000  }
0x164: {  	s17 =	sadd.s32 $0x1, s17;
	s0 =	rddreg [dreg:$0x4]  }
0x165: {  	p0 =	sne.s32 s17, s0  }
.Ltmp6:
0x166: {  	_ = 	snop;
	(pc) =	sbr.rel @p0 .LBB2_1-.Ltmp6, $1  }
0x167: {  	_ =	sdelay $0x3  }
0x168: {  	_ =	sfence.sel $0x180000  }
0x169: {  	[bflag:$0x0] =	sbarrier.arrive $0xFFFF  }
0x16a: {  	_ =	strace $0x90000047  }
0x16b: {  	s0 =	stileid.u32;
	[bflag:$0x2] =	sbarrier.arrive $0xFFFF  }
0x16c: {  	p0 =	sne.s32 s0, $0x0;
	s0 =	rddreg [dreg:$0x2]  }
0x16d: {  	s0 =	sadd.s32 @!p0 $0x100000, s0  }
0x16e: {  	[sflag:s0] =	ssyncadd.tile.s32 @!p0 $0x1;
	_ =	shalt  }
.Lfunc_end2:
_tile_overlayer_lowered:
.L_overlay_start_2:
0x16f: {  	(tag) =	ssettag $0x2  }
0x170: {  	s0 =	rddreg [dreg:$0x0];
	s2 =	stileid.u32  }
0x171: {  	s1 =	rddreg [dreg:$0x1];
	p0 =	sne.s32 s2, $0x0  }
0x172: {  	s3 =	rddreg [dreg:$0x2];
	[bflag:$0x3] =	sbarrier.arrive $0xFFFF;
	s2 =	simm.s32 @!p0 $0x1C04  }
0x173: {  	[timem:s3], [sflag:s2] =	dma.local @!p0 [hbm:s0], s1  }
0x174: {  	s0 =	simm.s32 @!p0 $0x4  }
0x175: {  	_ =	swait.ge @!p0 [sflag:s0], s1  }
0x176: {  	s1 =	ssub.s32 @!p0 $0x0, s1;
	[sflag:s0] =	ssyncset.done @!p0 $0x0  }
0x177: {  	[sflag:s0] =	ssyncadd.s32 @!p0 s1  }
0x178: {  	[bflag:$0x3] =	sbarrier.arrive $0xFFFF  }
0x179: {  	_ =	shalt  }

</sc_bundles>
